<compile_context>
chip_gen: v7x
topology: tpu7x:2x2x1
jax: 0.10.2.dev20260603
libtpu: 0.0.44.dev20260713+nightly
codegen_flags: <defaults>
</compile_context>

<pallas_src>
import functools

import jax
import jax.numpy as jnp
from jax import lax
from jax.experimental import pallas as pl
from jax.experimental.pallas import tpu as pltpu
from jax.experimental.pallas import tpu_sc as plsc

NC = 2
NS = 16
NW = NC * NS
L = 16
CH = 128


def _stage_a_body(neb, ea_ref, wb_ref, b_ref, x_ref, wa_ref,
                  ew_ref, xw1_ref):
    i = pl.program_id(0)

    @pl.when(i < neb)
    def _():
        ew_ref[...] = jnp.dot(ea_ref[...], wb_ref[...],
                              preferred_element_type=jnp.float32) + b_ref[...]

    @pl.when(i == neb)
    def _():
        xw1_ref[...] = jnp.dot(x_ref[...], wa_ref[...],
                               preferred_element_type=jnp.float32)


def _sc_scatter_body(NCH, NPS, npad, epw8,
                     xw1_hbm, ew_hbm, row_hbm, col_hbm,
                     outv_hbm,
                     row_buf, col_buf, ew_buf, ew_buf2, gath_buf, gath_buf2,
                     val_buf, val_buf2, ones_buf,
                     vals_tmp, cnt_tmp, node_buf,
                     acc_sh, cnt_sh,
                     sem_e0, sem_e1, sem_g0, sem_g1, sem_s0, sem_s1, sem_c):
    c = lax.axis_index("c")
    s = lax.axis_index("s")
    wid = s * NC + c

    zvec = jnp.zeros((L,), jnp.float32)

    def zero_val(i, carry):
        vals_tmp[i] = zvec
        return carry

    lax.fori_loop(0, NPS, zero_val, 0)

    def zero_cnt(i, carry):
        cnt_tmp[pl.ds(i * L, L)] = zvec
        return carry

    lax.fori_loop(0, NPS // L, zero_cnt, 0)

    def one_row(i, carry):
        ones_buf[pl.ds(i * L, L)] = zvec + 1.0
        return carry

    lax.fori_loop(0, CH // L, one_row, 0)

    pltpu.sync_copy(vals_tmp, acc_sh.at[pl.ds(s * NPS, NPS)])
    pltpu.sync_copy(cnt_tmp, cnt_sh.at[pl.ds(s * NPS, NPS)])

    pltpu.sync_copy(row_hbm.at[wid], row_buf)
    pltpu.sync_copy(col_hbm.at[wid], col_buf)

    plsc.subcore_barrier()

    ew_bufs = (ew_buf, ew_buf2)
    gath_bufs = (gath_buf, gath_buf2)
    val_bufs = (val_buf, val_buf2)
    sem_es = (sem_e0, sem_e1)
    sem_gs = (sem_g0, sem_g1)
    sem_ss = (sem_s0, sem_s1)

    def issue_loads(k, b):
        pltpu.async_copy(
            ew_hbm.at[pl.ds(wid * epw8 + k * (CH // 8), CH // 8)],
            ew_bufs[b], sem_es[b])
        pltpu.async_copy(xw1_hbm.at[row_buf.at[k]], gath_bufs[b], sem_gs[b])

    issue_loads(0, 0)

    def chunk_pair(k2, carry):
        for b in range(2):
            k = 2 * k2 + b
            nb = 1 - b
            if b == 0:
                issue_loads(k + 1, nb)
            else:
                @pl.when(k2 < NCH // 2 - 1)
                def _():
                    issue_loads(k + 1, nb)
            pltpu.make_async_copy(
                ew_hbm.at[pl.ds(wid * epw8 + k * (CH // 8), CH // 8)],
                ew_bufs[b], sem_es[b]).wait()
            pltpu.make_async_copy(xw1_hbm.at[row_buf.at[k]], gath_bufs[b],
                                  sem_gs[b]).wait()

            @pl.when(k2 >= 1)
            def _():
                pltpu.make_async_copy(val_bufs[b],
                                      acc_sh.at[col_buf.at[k]],
                                      sem_ss[b]).wait()

            def pack8(j, carry2, _b=b):
                for t in range(8):
                    i = j * 8 + t
                    v = gath_bufs[_b][i] + ew_bufs[_b][j, pl.ds(t * L, L)]
                    val_bufs[_b][i] = jnp.maximum(v, 0.0)
                return carry2

            lax.fori_loop(0, CH // 8, pack8, 0)
            pltpu.async_copy(ones_buf, cnt_sh.at[col_buf.at[k]], sem_c,
                             add=True)
            pltpu.async_copy(val_bufs[b], acc_sh.at[col_buf.at[k]],
                             sem_ss[b], add=True)
        return carry

    lax.fori_loop(0, NCH // 2, chunk_pair, 0)

    for b in range(2):
        pltpu.make_async_copy(val_bufs[b], acc_sh.at[col_buf.at[0]],
                              sem_ss[b]).wait()

    def drain(k, carry):
        pltpu.make_async_copy(ones_buf, cnt_sh.at[col_buf.at[0]],
                              sem_c).wait()
        return carry

    lax.fori_loop(0, NCH, drain, 0)

    plsc.subcore_barrier()

    pltpu.sync_copy(acc_sh.at[pl.ds(s * NPS, NPS)], vals_tmp)
    pltpu.sync_copy(cnt_sh.at[pl.ds(s * NPS, NPS)], cnt_tmp)
    lane0 = lax.iota(jnp.int32, L) == 0

    def merge(g, carry):
        cvec = cnt_tmp[pl.ds(g * L, L)]
        for t in range(L):
            i = g * L + t
            node_buf[i, pl.ds(0, L)] = vals_tmp[i]
            node_buf[i, pl.ds(L, L)] = jnp.where(lane0, cvec[t], 0.0)
        return carry

    lax.fori_loop(0, NPS // L, merge, 0)
    pltpu.sync_copy(node_buf, outv_hbm.at[pl.ds(c * npad + s * NPS, NPS)])


def _node_body(x_ref, p_ref, w_ref, b_ref, o_ref):
    fx = x_ref.shape[1]
    p0 = p_ref[0]
    p1 = p_ref[1]
    acc = p0[:, :L] + p1[:, :L]
    cnt = p0[:, L:L + 1] + p1[:, L:L + 1]
    mean = acc / jnp.maximum(cnt, 1.0)
    h = jnp.dot(x_ref[...], w_ref[:fx], preferred_element_type=jnp.float32)
    h = h + jnp.dot(mean, w_ref[fx:], preferred_element_type=jnp.float32)
    o_ref[...] = jnp.maximum(h + b_ref[...], 0.0)


def kernel(x, edge_index, edge_attr, u, batch, W1, b1, W2, b2):
    n, fx = x.shape
    e, fe = edge_attr.shape
    dout = W1.shape[1]
    assert dout == L and e % NW == 0 and fe == 16 and n % 8 == 0

    epw = e // NW
    nch = -(-epw // CH)
    nch += nch & 1
    epw_p = nch * CH
    npad = -(-n // (NS * L)) * (NS * L)
    nps = npad // NS
    assert npad > n

    ri = jnp.pad(edge_index[0].reshape(NW, epw), ((0, 0), (0, epw_p - epw)))
    row = ri.reshape(NW, nch, CH)
    ci = jnp.pad(edge_index[1].reshape(NW, epw), ((0, 0), (0, epw_p - epw)),
                 constant_values=n)
    col = ci.reshape(NW, nch, CH)

    eye8 = jnp.eye(8, dtype=jnp.float32)
    rb = 1024

    epw8 = epw // 8
    ewr = -(-((NW - 1) * epw8 + nch * (CH // 8)) // 8) * 8
    eb = 2048
    neb = -(-ewr // eb)
    w1b_big = jnp.kron(eye8, W1[fx:])
    b1_t = jnp.tile(b1, 8).reshape(1, 8 * dout)
    ew, xw1 = pl.pallas_call(
        functools.partial(_stage_a_body, neb),
        grid=(neb + 1,),
        in_specs=[
            pl.BlockSpec((eb, 8 * fe), lambda i: (jnp.minimum(i, neb - 1), 0)),
            pl.BlockSpec((8 * fe, 8 * dout), lambda i: (0, 0)),
            pl.BlockSpec((1, 8 * dout), lambda i: (0, 0)),
            pl.BlockSpec((n, fx), lambda i: (0, 0)),
            pl.BlockSpec((fx, dout), lambda i: (0, 0)),
        ],
        out_specs=[
            pl.BlockSpec((eb, 8 * dout), lambda i: (jnp.minimum(i, neb - 1), 0)),
            pl.BlockSpec((n, dout), lambda i: (0, 0)),
        ],
        out_shape=[
            jax.ShapeDtypeStruct((ewr, 8 * dout), jnp.float32),
            jax.ShapeDtypeStruct((n, dout), jnp.float32),
        ],
    )(edge_attr.reshape(e // 8, 8 * fe), w1b_big, b1_t, x, W1[:fx])

    mesh = plsc.VectorSubcoreMesh(core_axis_name="c", subcore_axis_name="s",
                                  num_cores=NC, num_subcores=NS)
    sc_fn = pl.kernel(
        functools.partial(_sc_scatter_body, nch, nps, npad, epw8),
        out_type=jax.ShapeDtypeStruct((NC * npad, 2 * dout), jnp.float32),
        mesh=mesh,
        compiler_params=pltpu.CompilerParams(use_tc_tiling_on_sc=False),
        scratch_types=[
            pltpu.VMEM((nch, CH), jnp.int32),
            pltpu.VMEM((nch, CH), jnp.int32),
            pltpu.VMEM((CH // 8, 8 * dout), jnp.float32),
            pltpu.VMEM((CH // 8, 8 * dout), jnp.float32),
            pltpu.VMEM((CH, dout), jnp.float32),
            pltpu.VMEM((CH, dout), jnp.float32),
            pltpu.VMEM((CH, dout), jnp.float32),
            pltpu.VMEM((CH, dout), jnp.float32),
            pltpu.VMEM((CH,), jnp.float32),
            pltpu.VMEM((nps, dout), jnp.float32),
            pltpu.VMEM((nps,), jnp.float32),
            pltpu.VMEM((nps, 2 * dout), jnp.float32),
            pltpu.VMEM_SHARED((npad, dout), jnp.float32),
            pltpu.VMEM_SHARED((npad,), jnp.float32),
        ] + [pltpu.SemaphoreType.DMA] * 7,
    )
    parts = sc_fn(xw1, ew, row, col).reshape(NC, npad, 2 * dout)

    out = pl.pallas_call(
        _node_body,
        grid=(-(-n // rb),),
        in_specs=[pl.BlockSpec((rb, fx), lambda i: (i, 0)),
                  pl.BlockSpec((NC, rb, 2 * dout), lambda i: (0, i, 0)),
                  pl.BlockSpec((fx + dout, dout), lambda i: (0, 0)),
                  pl.BlockSpec((1, dout), lambda i: (0, 0))],
        out_specs=pl.BlockSpec((rb, dout), lambda i: (i, 0)),
        out_shape=jax.ShapeDtypeStruct((n, dout), jnp.float32),
    )(x, parts, W2, b2.reshape(1, dout))
    return out

# --- scband reference (transcript-rebuilt; emitter-appended) ---
"""Pipeline reference for scband-node-model-54589034332475 (READ-ONLY COPY).

The authoritative reference and input builder live on the scoring server;
editing this copy changes nothing except your own understanding.
"""

import jax, jax.numpy as jnp
import numpy as np

N = 10000
E = 320000
FX = 128
FE = 16
B = 16
FU = 32
IN_DIM = FX + FE  # 144
OUT_DIM = 16


def setup_inputs(seed: int = 0) -> dict:
    key = jax.random.key(seed)
    ks = jax.random.split(key, 10)
    x = jax.random.normal(ks[0], (N, FX), dtype=jnp.float32)
    edge_index = jax.random.randint(ks[1], (2, E), 0, N, dtype=jnp.int32)
    edge_attr = jax.random.normal(ks[2], (E, FE), dtype=jnp.float32)
    u = jax.random.normal(ks[3], (B, FU), dtype=jnp.float32)
    batch = jnp.sort(jax.random.randint(ks[4], (N,), 0, B, dtype=jnp.int32))
    # Learned parameters (Linear stores weight [out, in]; we keep [in, out] and matmul directly)
    s1 = 1.0 / np.sqrt(IN_DIM)
    W1 = jax.random.uniform(ks[5], (IN_DIM, OUT_DIM), dtype=jnp.float32, minval=-s1, maxval=s1)
    b1 = jax.random.uniform(ks[6], (OUT_DIM,), dtype=jnp.float32, minval=-s1, maxval=s1)
    W2 = jax.random.uniform(ks[7], (IN_DIM, OUT_DIM), dtype=jnp.float32, minval=-s1, maxval=s1)
    b2 = jax.random.uniform(ks[8], (OUT_DIM,), dtype=jnp.float32, minval=-s1, maxval=s1)
    return {"x": x, "edge_index": edge_index, "edge_attr": edge_attr, "u": u, "batch": batch,
            "W1": W1, "b1": b1, "W2": W2, "b2": b2}


def reference(x, edge_index, edge_attr, u, batch, W1, b1, W2, b2):
    n = x.shape[0]
    row = edge_index[0]
    col = edge_index[1]
    # phi part 1: per-edge MLP on [x[row] || edge_attr]
    data = jnp.concatenate([jnp.take(x, row, axis=0), edge_attr], axis=1)
    data = jax.nn.relu(data @ W1 + b1)
    # scatter mean over destination nodes (col), dim_size = N
    summed = jax.ops.segment_sum(data, col, num_segments=n)
    counts = jax.ops.segment_sum(jnp.ones((data.shape[0],), dtype=jnp.float32), col, num_segments=n)
    mean = summed / jnp.maximum(counts, 1.0)[:, None]
    # phi part 2: per-node MLP on [x || aggregated]
    data2 = jnp.concatenate([x, mean], axis=1)
    return jax.nn.relu(data2 @ W2 + b2)

if __name__ == "__main__":
    import jax
    _d = setup_inputs()
    print(jax.jit(kernel)(*tuple(_d.values())))

</pallas_src>

<mosaic_0001>
#map = affine_map<(d0, d1) -> (0, 0)>
#map1 = affine_map<(d0, d1) -> (0, 0, 0)>
module attributes {stable_mosaic.version = 14 : i64} {
  func.func @_sc_scatter_body(%arg0: i32, %arg1: i32, %arg2: memref<10000x16xf32, #tpu.memory_space<hbm>>, %arg3: memref<40032x128xf32, #tpu.memory_space<hbm>>, %arg4: memref<32x80x128xi32, #tpu.memory_space<hbm>>, %arg5: memref<32x80x128xi32, #tpu.memory_space<hbm>>, %arg6: memref<20480x32xf32, #tpu.memory_space<hbm>>, %arg7: memref<80x128xi32, #tpu.memory_space<vmem>>, %arg8: memref<80x128xi32, #tpu.memory_space<vmem>>, %arg9: memref<16x128xf32, #tpu.memory_space<vmem>>, %arg10: memref<16x128xf32, #tpu.memory_space<vmem>>, %arg11: memref<128x16xf32, #tpu.memory_space<vmem>>, %arg12: memref<128x16xf32, #tpu.memory_space<vmem>>, %arg13: memref<128x16xf32, #tpu.memory_space<vmem>>, %arg14: memref<128x16xf32, #tpu.memory_space<vmem>>, %arg15: memref<128xf32, #tpu.memory_space<vmem>>, %arg16: memref<640x16xf32, #tpu.memory_space<vmem>>, %arg17: memref<640xf32, #tpu.memory_space<vmem>>, %arg18: memref<640x32xf32, #tpu.memory_space<vmem>>, %arg19: memref<10240x16xf32, #tpu.memory_space<vmem_shared>>, %arg20: memref<10240xf32, #tpu.memory_space<vmem_shared>>, %arg21: memref<!tpu.dma_semaphore, #tpu.memory_space<semaphore_mem>>, %arg22: memref<!tpu.dma_semaphore, #tpu.memory_space<semaphore_mem>>, %arg23: memref<!tpu.dma_semaphore, #tpu.memory_space<semaphore_mem>>, %arg24: memref<!tpu.dma_semaphore, #tpu.memory_space<semaphore_mem>>, %arg25: memref<!tpu.dma_semaphore, #tpu.memory_space<semaphore_mem>>, %arg26: memref<!tpu.dma_semaphore, #tpu.memory_space<semaphore_mem>>, %arg27: memref<!tpu.dma_semaphore, #tpu.memory_space<semaphore_mem>>) attributes {dimension_semantics = [#tpu.dimension_semantics<core_parallel>, #tpu.dimension_semantics<subcore_parallel>], iteration_bounds = array<i64: 2, 16>, scalar_prefetch = 0 : i64, scratch_operands = 21 : i64, tpu.core_type = #tpu.core_type<sc_vector_subcore>, window_params = [{transform_indices = #map}, {transform_indices = #map}, {transform_indices = #map1}, {transform_indices = #map1}, {transform_indices = #map}]} {
    %mul3A = arith.constant 2 : i32
    %mul3A_0 = arith.muli %arg1, %mul3A : i32
    %add3A = arith.addi %mul3A_0, %arg0 : i32
    %broadcast_in_dim3A = arith.constant 0.000000e+00 : f32
    %broadcast_in_dim3A_1 = vector.broadcast %broadcast_in_dim3A : f32 to vector<16xf32>
    %scan3A = arith.constant 0 : i32
    %scan3A_2 = arith.constant 0 : i32
    %scan3A_3 = arith.constant 640 : i32
    %scan3A_4 = arith.addi %scan3A_2, %scan3A_3 : i32
    %scan3A_5 = arith.constant 1 : i32
    scf.for %scan3A_80 = %scan3A_2 to %scan3A_4 step %scan3A_5  : i32 {
      %swap3A = arith.index_cast %scan3A_80 : i32 to index
      %swap3A_81 = arith.constant 0 : index
      %swap3A_82 = tpu.vector_load %arg16[%swap3A, %swap3A_81] {strides = array<i32>} : memref<640x16xf32, #tpu.memory_space<vmem>>, vector<1x16xf32>,
      %swap3A_83 = vector.shape_cast %swap3A_82 : vector<1x16xf32> to vector<16xf32>
      %swap3A_84 = vector.shape_cast %broadcast_in_dim3A_1 : vector<16xf32> to vector<1x16xf32>
      tpu.vector_store %arg16[%swap3A, %swap3A_81], %swap3A_84 {strides = array<i32>} : memref<640x16xf32, #tpu.memory_space<vmem>>, vector<1x16xf32>,
    }
    %scan3A_6 = arith.constant 640 : i32
    %scan3A_7 = arith.constant 0 : i32
    %scan3A_8 = arith.constant 0 : i32
    %scan3A_9 = arith.constant 40 : i32
    %scan3A_10 = arith.addi %scan3A_8, %scan3A_9 : i32
    %scan3A_11 = arith.constant 1 : i32
    scf.for %scan3A_80 = %scan3A_8 to %scan3A_10 step %scan3A_11  : i32 {
      %mul3A_81 = arith.constant 16 : i32
      %mul3A_82 = arith.muli %scan3A_80, %mul3A_81 : i32
      %swap3A = arith.index_cast %mul3A_82 : i32 to index
      %swap3A_83 = tpu.vector_load %arg17[%swap3A] {strides = array<i32>} : memref<640xf32, #tpu.memory_space<vmem>>, vector<16xf32>,
      %swap3A_84 = vector.shape_cast %swap3A_83 : vector<16xf32> to vector<16xf32>
      %swap3A_85 = vector.shape_cast %broadcast_in_dim3A_1 : vector<16xf32> to vector<16xf32>
      tpu.vector_store %arg17[%swap3A], %swap3A_85 {strides = array<i32>} : memref<640xf32, #tpu.memory_space<vmem>>, vector<16xf32>,
    }
    %scan3A_12 = arith.constant 40 : i32
    %scan3A_13 = arith.constant 0 : i32
    %scan3A_14 = arith.constant 0 : i32
    %scan3A_15 = arith.constant 8 : i32
    %scan3A_16 = arith.addi %scan3A_14, %scan3A_15 : i32
    %scan3A_17 = arith.constant 1 : i32
    scf.for %scan3A_80 = %scan3A_14 to %scan3A_16 step %scan3A_17  : i32 {
      %add3A_81 = arith.constant 1.000000e+00 : f32
      %add3A_82 = vector.broadcast %add3A_81 : f32 to vector<16xf32>
      %add3A_83 = arith.addf %broadcast_in_dim3A_1, %add3A_82 : vector<16xf32>
      %mul3A_84 = arith.constant 16 : i32
      %mul3A_85 = arith.muli %scan3A_80, %mul3A_84 : i32
      %swap3A = arith.index_cast %mul3A_85 : i32 to index
      %swap3A_86 = tpu.vector_load %arg15[%swap3A] {strides = array<i32>} : memref<128xf32, #tpu.memory_space<vmem>>, vector<16xf32>,
      %swap3A_87 = vector.shape_cast %swap3A_86 : vector<16xf32> to vector<16xf32>
      %swap3A_88 = vector.shape_cast %add3A_83 : vector<16xf32> to vector<16xf32>
      tpu.vector_store %arg15[%swap3A], %swap3A_88 {strides = array<i32>} : memref<128xf32, #tpu.memory_space<vmem>>, vector<16xf32>,
    }
    %scan3A_18 = arith.constant 8 : i32
    %mul3A_19 = arith.constant 640 : i32
    %mul3A_20 = arith.muli %arg1, %mul3A_19 : i32
    "tpu.region"() ({
      %run_scoped3A = tpu.sem_alloc : memref<!tpu.dma_semaphore, #tpu.memory_space<semaphore_mem>>
      %dma_start3A_80 = arith.constant 0 : i32
      %dma_start3A_81 = tpu.memref_slice %arg19[%mul3A_20, %dma_start3A_80] : memref<10240x16xf32, #tpu.memory_space<vmem_shared>> -> memref<640x16xf32, #tpu.memory_space<vmem_shared>>
      %dma_start3A_82 = arith.constant 0 : i32
      %dma_start3A_83 = tpu.memref_slice %arg19[%mul3A_20, %dma_start3A_82] : memref<10240x16xf32, #tpu.memory_space<vmem_shared>> -> memref<640x16xf32, #tpu.memory_space<vmem_shared>>
      tpu.enqueue_dma source(%arg16 : memref<640x16xf32, #tpu.memory_space<vmem>>) target(%dma_start3A_83 : memref<640x16xf32, #tpu.memory_space<vmem_shared>>) target_semaphore(%run_scoped3A : memref<!tpu.dma_semaphore, #tpu.memory_space<semaphore_mem>>)
      %dma_wait3A_84 = arith.constant 0 : i32
      %dma_wait3A_85 = tpu.memref_slice %arg19[%mul3A_20, %dma_wait3A_84] : memref<10240x16xf32, #tpu.memory_space<vmem_shared>> -> memref<640x16xf32, #tpu.memory_space<vmem_shared>>
      %dma_wait3A_86 = arith.constant 0 : i32
      %dma_wait3A_87 = tpu.memref_slice %arg19[%mul3A_20, %dma_wait3A_86] : memref<10240x16xf32, #tpu.memory_space<vmem_shared>> -> memref<640x16xf32, #tpu.memory_space<vmem_shared>>
      tpu.wait_dma2 semaphore(%run_scoped3A : memref<!tpu.dma_semaphore, #tpu.memory_space<semaphore_mem>>) src(%arg16 : memref<640x16xf32, #tpu.memory_space<vmem>>) dst(%dma_wait3A_87 : memref<640x16xf32, #tpu.memory_space<vmem_shared>>)
      tpu.yield
    }) : () -> ()
    %mul3A_21 = arith.constant 640 : i32
    %mul3A_22 = arith.muli %arg1, %mul3A_21 : i32
    "tpu.region"() ({
      %run_scoped3A = tpu.sem_alloc : memref<!tpu.dma_semaphore, #tpu.memory_space<semaphore_mem>>
      %dma_start3A_80 = tpu.memref_slice %arg20[%mul3A_22] : memref<10240xf32, #tpu.memory_space<vmem_shared>> -> memref<640xf32, #tpu.memory_space<vmem_shared>>
      %dma_start3A_81 = tpu.memref_slice %arg20[%mul3A_22] : memref<10240xf32, #tpu.memory_space<vmem_shared>> -> memref<640xf32, #tpu.memory_space<vmem_shared>>
      tpu.enqueue_dma source(%arg17 : memref<640xf32, #tpu.memory_space<vmem>>) target(%dma_start3A_81 : memref<640xf32, #tpu.memory_space<vmem_shared>>) target_semaphore(%run_scoped3A : memref<!tpu.dma_semaphore, #tpu.memory_space<semaphore_mem>>)
      %dma_wait3A_82 = tpu.memref_slice %arg20[%mul3A_22] : memref<10240xf32, #tpu.memory_space<vmem_shared>> -> memref<640xf32, #tpu.memory_space<vmem_shared>>
      %dma_wait3A_83 = tpu.memref_slice %arg20[%mul3A_22] : memref<10240xf32, #tpu.memory_space<vmem_shared>> -> memref<640xf32, #tpu.memory_space<vmem_shared>>
      tpu.wait_dma2 semaphore(%run_scoped3A : memref<!tpu.dma_semaphore, #tpu.memory_space<semaphore_mem>>) src(%arg17 : memref<640xf32, #tpu.memory_space<vmem>>) dst(%dma_wait3A_83 : memref<640xf32, #tpu.memory_space<vmem_shared>>)
      tpu.yield
    }) : () -> ()
    "tpu.region"() ({
      %run_scoped3A = tpu.sem_alloc : memref<!tpu.dma_semaphore, #tpu.memory_space<semaphore_mem>>
      %dma_start3A_80 = arith.constant 0 : i32
      %dma_start3A_81 = arith.constant 0 : i32
      %dma_start3A_82 = tpu.memref_slice %arg4[%add3A, %dma_start3A_80, %dma_start3A_81] : memref<32x80x128xi32, #tpu.memory_space<hbm>> -> memref<1x80x128xi32, #tpu.memory_space<hbm>>
      %dma_start3A_83 = tpu.memref_squeeze %dma_start3A_82 : memref<1x80x128xi32, #tpu.memory_space<hbm>> -> memref<80x128xi32, #tpu.memory_space<hbm>>
      %dma_start3A_84 = arith.constant 0 : i32
      %dma_start3A_85 = arith.constant 0 : i32
      %dma_start3A_86 = tpu.memref_slice %arg4[%add3A, %dma_start3A_84, %dma_start3A_85] : memref<32x80x128xi32, #tpu.memory_space<hbm>> -> memref<1x80x128xi32, #tpu.memory_space<hbm>>
      %dma_start3A_87 = tpu.memref_squeeze %dma_start3A_86 : memref<1x80x128xi32, #tpu.memory_space<hbm>> -> memref<80x128xi32, #tpu.memory_space<hbm>>
      tpu.enqueue_dma source(%dma_start3A_87 : memref<80x128xi32, #tpu.memory_space<hbm>>) target(%arg7 : memref<80x128xi32, #tpu.memory_space<vmem>>) target_semaphore(%run_scoped3A : memref<!tpu.dma_semaphore, #tpu.memory_space<semaphore_mem>>)
      %dma_wait3A_88 = arith.constant 0 : i32
      %dma_wait3A_89 = arith.constant 0 : i32
      %dma_wait3A_90 = tpu.memref_slice %arg4[%add3A, %dma_wait3A_88, %dma_wait3A_89] : memref<32x80x128xi32, #tpu.memory_space<hbm>> -> memref<1x80x128xi32, #tpu.memory_space<hbm>>
      %dma_wait3A_91 = tpu.memref_squeeze %dma_wait3A_90 : memref<1x80x128xi32, #tpu.memory_space<hbm>> -> memref<80x128xi32, #tpu.memory_space<hbm>>
      %dma_wait3A_92 = arith.constant 0 : i32
      %dma_wait3A_93 = arith.constant 0 : i32
      %dma_wait3A_94 = tpu.memref_slice %arg4[%add3A, %dma_wait3A_92, %dma_wait3A_93] : memref<32x80x128xi32, #tpu.memory_space<hbm>> -> memref<1x80x128xi32, #tpu.memory_space<hbm>>
      %dma_wait3A_95 = tpu.memref_squeeze %dma_wait3A_94 : memref<1x80x128xi32, #tpu.memory_space<hbm>> -> memref<80x128xi32, #tpu.memory_space<hbm>>
      tpu.wait_dma2 semaphore(%run_scoped3A : memref<!tpu.dma_semaphore, #tpu.memory_space<semaphore_mem>>) src(%dma_wait3A_95 : memref<80x128xi32, #tpu.memory_space<hbm>>) dst(%arg7 : memref<80x128xi32, #tpu.memory_space<vmem>>)
      tpu.yield
    }) : () -> ()
    "tpu.region"() ({
      %run_scoped3A = tpu.sem_alloc : memref<!tpu.dma_semaphore, #tpu.memory_space<semaphore_mem>>
      %dma_start3A_80 = arith.constant 0 : i32
      %dma_start3A_81 = arith.constant 0 : i32
      %dma_start3A_82 = tpu.memref_slice %arg5[%add3A, %dma_start3A_80, %dma_start3A_81] : memref<32x80x128xi32, #tpu.memory_space<hbm>> -> memref<1x80x128xi32, #tpu.memory_space<hbm>>
      %dma_start3A_83 = tpu.memref_squeeze %dma_start3A_82 : memref<1x80x128xi32, #tpu.memory_space<hbm>> -> memref<80x128xi32, #tpu.memory_space<hbm>>
      %dma_start3A_84 = arith.constant 0 : i32
      %dma_start3A_85 = arith.constant 0 : i32
      %dma_start3A_86 = tpu.memref_slice %arg5[%add3A, %dma_start3A_84, %dma_start3A_85] : memref<32x80x128xi32, #tpu.memory_space<hbm>> -> memref<1x80x128xi32, #tpu.memory_space<hbm>>
      %dma_start3A_87 = tpu.memref_squeeze %dma_start3A_86 : memref<1x80x128xi32, #tpu.memory_space<hbm>> -> memref<80x128xi32, #tpu.memory_space<hbm>>
      tpu.enqueue_dma source(%dma_start3A_87 : memref<80x128xi32, #tpu.memory_space<hbm>>) target(%arg8 : memref<80x128xi32, #tpu.memory_space<vmem>>) target_semaphore(%run_scoped3A : memref<!tpu.dma_semaphore, #tpu.memory_space<semaphore_mem>>)
      %dma_wait3A_88 = arith.constant 0 : i32
      %dma_wait3A_89 = arith.constant 0 : i32
      %dma_wait3A_90 = tpu.memref_slice %arg5[%add3A, %dma_wait3A_88, %dma_wait3A_89] : memref<32x80x128xi32, #tpu.memory_space<hbm>> -> memref<1x80x128xi32, #tpu.memory_space<hbm>>
      %dma_wait3A_91 = tpu.memref_squeeze %dma_wait3A_90 : memref<1x80x128xi32, #tpu.memory_space<hbm>> -> memref<80x128xi32, #tpu.memory_space<hbm>>
      %dma_wait3A_92 = arith.constant 0 : i32
      %dma_wait3A_93 = arith.constant 0 : i32
      %dma_wait3A_94 = tpu.memref_slice %arg5[%add3A, %dma_wait3A_92, %dma_wait3A_93] : memref<32x80x128xi32, #tpu.memory_space<hbm>> -> memref<1x80x128xi32, #tpu.memory_space<hbm>>
      %dma_wait3A_95 = tpu.memref_squeeze %dma_wait3A_94 : memref<1x80x128xi32, #tpu.memory_space<hbm>> -> memref<80x128xi32, #tpu.memory_space<hbm>>
      tpu.wait_dma2 semaphore(%run_scoped3A : memref<!tpu.dma_semaphore, #tpu.memory_space<semaphore_mem>>) src(%dma_wait3A_95 : memref<80x128xi32, #tpu.memory_space<hbm>>) dst(%arg8 : memref<80x128xi32, #tpu.memory_space<vmem>>)
      tpu.yield
    }) : () -> ()
    %barrier3A = arith.constant 0 : index
    tpu.barrier barrier_id(%barrier3A)
    %mul3A_23 = arith.constant 1250 : i32
    %mul3A_24 = arith.muli %add3A, %mul3A_23 : i32
    %add3A_25 = arith.constant 0 : i32
    %add3A_26 = arith.addi %mul3A_24, %add3A_25 : i32
    %dma_start3A = arith.constant 0 : i32
    %dma_start3A_27 = tpu.memref_slice %arg3[%add3A_26, %dma_start3A] : memref<40032x128xf32, #tpu.memory_space<hbm>> -> memref<16x128xf32, #tpu.memory_space<hbm>>
    %dma_start3A_28 = arith.constant 0 : i32
    %dma_start3A_29 = tpu.memref_slice %arg3[%add3A_26, %dma_start3A_28] : memref<40032x128xf32, #tpu.memory_space<hbm>> -> memref<16x128xf32, #tpu.memory_space<hbm>>
    tpu.enqueue_dma source(%dma_start3A_29 : memref<16x128xf32, #tpu.memory_space<hbm>>) target(%arg9 : memref<16x128xf32, #tpu.memory_space<vmem>>) target_semaphore(%arg21 : memref<!tpu.dma_semaphore, #tpu.memory_space<semaphore_mem>>)
    %dma_start3A_30 = arith.constant 0 : i32
    %dma_start3A_31 = arith.constant 0 : i32
    %dma_start3A_32 = tpu.memref_slice %arg7[%dma_start3A_30, %dma_start3A_31] : memref<80x128xi32, #tpu.memory_space<vmem>> -> memref<1x128xi32, #tpu.memory_space<vmem>>
    %dma_start3A_33 = tpu.memref_squeeze %dma_start3A_32 : memref<1x128xi32, #tpu.memory_space<vmem>> -> memref<128xi32, #tpu.memory_space<vmem>>
    %dma_start3A_34 = arith.constant 0 : i32
    %dma_start3A_35 = arith.constant 0 : i32
    %dma_start3A_36 = tpu.memref_slice %arg2[%dma_start3A_34, %dma_start3A_35] : memref<10000x16xf32, #tpu.memory_space<hbm>> -> memref<10000x16xf32, #tpu.memory_space<hbm>>
    tpu.enqueue_indirect_dma source(%dma_start3A_36 : memref<10000x16xf32, #tpu.memory_space<hbm>>) target(%arg11 : memref<128x16xf32, #tpu.memory_space<vmem>>) offsets(%dma_start3A_33 : memref<128xi32, #tpu.memory_space<vmem>>) semaphore(%arg23 : memref<!tpu.dma_semaphore, #tpu.memory_space<semaphore_mem>>)
    %scan3A_37 = arith.constant 0 : i32
    %scan3A_38 = arith.constant 0 : i32
    %scan3A_39 = arith.constant 40 : i32
    %scan3A_40 = arith.addi %scan3A_38, %scan3A_39 : i32
    %scan3A_41 = arith.constant 1 : i32
    scf.for %scan3A_80 = %scan3A_38 to %scan3A_40 step %scan3A_41  : i32 {
      %mul3A_81 = arith.constant 2 : i32
      %mul3A_82 = arith.muli %mul3A_81, %scan3A_80 : i32
      %add3A_83 = arith.constant 0 : i32
      %add3A_84 = arith.addi %mul3A_82, %add3A_83 : i32
      %add3A_85 = arith.constant 1 : i32
      %add3A_86 = arith.addi %add3A_84, %add3A_85 : i32
      %mul3A_87 = arith.constant 1250 : i32
      %mul3A_88 = arith.muli %add3A, %mul3A_87 : i32
      %mul3A_89 = arith.constant 16 : i32
      %mul3A_90 = arith.muli %add3A_86, %mul3A_89 : i32
      %add3A_91 = arith.addi %mul3A_88, %mul3A_90 : i32
      %dma_start3A_92 = arith.constant 0 : i32
      %dma_start3A_93 = tpu.memref_slice %arg3[%add3A_91, %dma_start3A_92] : memref<40032x128xf32, #tpu.memory_space<hbm>> -> memref<16x128xf32, #tpu.memory_space<hbm>>
      %dma_start3A_94 = arith.constant 0 : i32
      %dma_start3A_95 = tpu.memref_slice %arg3[%add3A_91, %dma_start3A_94] : memref<40032x128xf32, #tpu.memory_space<hbm>> -> memref<16x128xf32, #tpu.memory_space<hbm>>
      tpu.enqueue_dma source(%dma_start3A_95 : memref<16x128xf32, #tpu.memory_space<hbm>>) target(%arg10 : memref<16x128xf32, #tpu.memory_space<vmem>>) target_semaphore(%arg22 : memref<!tpu.dma_semaphore, #tpu.memory_space<semaphore_mem>>)
      %dma_start3A_96 = arith.constant 0 : i32
      %dma_start3A_97 = tpu.memref_slice %arg7[%add3A_86, %dma_start3A_96] : memref<80x128xi32, #tpu.memory_space<vmem>> -> memref<1x128xi32, #tpu.memory_space<vmem>>
      %dma_start3A_98 = tpu.memref_squeeze %dma_start3A_97 : memref<1x128xi32, #tpu.memory_space<vmem>> -> memref<128xi32, #tpu.memory_space<vmem>>
      %dma_start3A_99 = arith.constant 0 : i32
      %dma_start3A_100 = arith.constant 0 : i32
      %dma_start3A_101 = tpu.memref_slice %arg2[%dma_start3A_99, %dma_start3A_100] : memref<10000x16xf32, #tpu.memory_space<hbm>> -> memref<10000x16xf32, #tpu.memory_space<hbm>>
      tpu.enqueue_indirect_dma source(%dma_start3A_101 : memref<10000x16xf32, #tpu.memory_space<hbm>>) target(%arg12 : memref<128x16xf32, #tpu.memory_space<vmem>>) offsets(%dma_start3A_98 : memref<128xi32, #tpu.memory_space<vmem>>) semaphore(%arg24 : memref<!tpu.dma_semaphore, #tpu.memory_space<semaphore_mem>>)
      %mul3A_102 = arith.constant 1250 : i32
      %mul3A_103 = arith.muli %add3A, %mul3A_102 : i32
      %mul3A_104 = arith.constant 16 : i32
      %mul3A_105 = arith.muli %add3A_84, %mul3A_104 : i32
      %add3A_106 = arith.addi %mul3A_103, %mul3A_105 : i32
      %dma_wait3A_107 = arith.constant 0 : i32
      %dma_wait3A_108 = tpu.memref_slice %arg3[%add3A_106, %dma_wait3A_107] : memref<40032x128xf32, #tpu.memory_space<hbm>> -> memref<16x128xf32, #tpu.memory_space<hbm>>
      %dma_wait3A_109 = arith.constant 0 : i32
      %dma_wait3A_110 = tpu.memref_slice %arg3[%add3A_106, %dma_wait3A_109] : memref<40032x128xf32, #tpu.memory_space<hbm>> -> memref<16x128xf32, #tpu.memory_space<hbm>>
      tpu.wait_dma2 semaphore(%arg21 : memref<!tpu.dma_semaphore, #tpu.memory_space<semaphore_mem>>) src(%dma_wait3A_110 : memref<16x128xf32, #tpu.memory_space<hbm>>) dst(%arg9 : memref<16x128xf32, #tpu.memory_space<vmem>>)
      %dma_wait3A_111 = arith.constant 0 : i32
      %dma_wait3A_112 = tpu.memref_slice %arg7[%add3A_84, %dma_wait3A_111] : memref<80x128xi32, #tpu.memory_space<vmem>> -> memref<1x128xi32, #tpu.memory_space<vmem>>
      %dma_wait3A_113 = tpu.memref_squeeze %dma_wait3A_112 : memref<1x128xi32, #tpu.memory_space<vmem>> -> memref<128xi32, #tpu.memory_space<vmem>>
      %dma_wait3A_114 = arith.constant 0 : i32
      %dma_wait3A_115 = arith.constant 0 : i32
      %dma_wait3A_116 = tpu.memref_slice %arg2[%dma_wait3A_114, %dma_wait3A_115] : memref<10000x16xf32, #tpu.memory_space<hbm>> -> memref<10000x16xf32, #tpu.memory_space<hbm>>
      tpu.wait_indirect_dma semaphore(%arg23 : memref<!tpu.dma_semaphore, #tpu.memory_space<semaphore_mem>>) src(%dma_wait3A_116 : memref<10000x16xf32, #tpu.memory_space<hbm>>) dst(%arg11 : memref<128x16xf32, #tpu.memory_space<vmem>>)
      %ge3A = arith.constant 1 : i32
      %ge3A_117 = arith.cmpi sge, %scan3A_80, %ge3A : i32
      %convert_element_type3A = arith.extui %ge3A_117 : i1 to i32
      %cond3A = arith.constant 0 : i32
      %cond3A_118 = arith.cmpi ne, %convert_element_type3A, %cond3A : i32
      scf.if %cond3A_118 {
        %dma_wait3A_181 = arith.constant 0 : i32
        %dma_wait3A_182 = tpu.memref_slice %arg8[%add3A_84, %dma_wait3A_181] : memref<80x128xi32, #tpu.memory_space<vmem>> -> memref<1x128xi32, #tpu.memory_space<vmem>>
        %dma_wait3A_183 = tpu.memref_squeeze %dma_wait3A_182 : memref<1x128xi32, #tpu.memory_space<vmem>> -> memref<128xi32, #tpu.memory_space<vmem>>
        %dma_wait3A_184 = arith.constant 0 : i32
        %dma_wait3A_185 = arith.constant 0 : i32
        %dma_wait3A_186 = tpu.memref_slice %arg19[%dma_wait3A_184, %dma_wait3A_185] : memref<10240x16xf32, #tpu.memory_space<vmem_shared>> -> memref<10240x16xf32, #tpu.memory_space<vmem_shared>>
        tpu.wait_indirect_dma semaphore(%arg25 : memref<!tpu.dma_semaphore, #tpu.memory_space<semaphore_mem>>) src(%arg13 : memref<128x16xf32, #tpu.memory_space<vmem>>) dst(%dma_wait3A_186 : memref<10240x16xf32, #tpu.memory_space<vmem_shared>>)
      } else {
      }
      %scan3A_119 = arith.constant 0 : i32
      %scan3A_120 = arith.constant 0 : i32
      %scan3A_121 = arith.constant 16 : i32
      %scan3A_122 = arith.addi %scan3A_120, %scan3A_121 : i32
      %scan3A_123 = arith.constant 1 : i32
      scf.for %scan3A_181 = %scan3A_120 to %scan3A_122 step %scan3A_123  : i32 {
        %mul3A_182 = arith.constant 8 : i32
        %mul3A_183 = arith.muli %scan3A_181, %mul3A_182 : i32
        %add3A_184 = arith.constant 0 : i32
        %add3A_185 = arith.addi %mul3A_183, %add3A_184 : i32
        %get3A = arith.index_cast %add3A_185 : i32 to index
        %get3A_186 = arith.constant 0 : index
        %get3A_187 = tpu.vector_load %arg11[%get3A, %get3A_186] {strides = array<i32>} : memref<128x16xf32, #tpu.memory_space<vmem>>, vector<1x16xf32>,
        %get3A_188 = vector.shape_cast %get3A_187 : vector<1x16xf32> to vector<16xf32>
        %get3A_189 = arith.index_cast %scan3A_181 : i32 to index
        %get3A_190 = arith.constant 0 : index
        %get3A_191 = tpu.vector_load %arg9[%get3A_189, %get3A_190] {strides = array<i32>} : memref<16x128xf32, #tpu.memory_space<vmem>>, vector<1x16xf32>,
        %get3A_192 = vector.shape_cast %get3A_191 : vector<1x16xf32> to vector<16xf32>
        %add3A_193 = arith.addf %get3A_188, %get3A_192 : vector<16xf32>
        %max3A = arith.constant 0.000000e+00 : f32
        %max3A_194 = vector.broadcast %max3A : f32 to vector<16xf32>
        %max3A_195 = arith.maximumf %add3A_193, %max3A_194 : vector<16xf32>
        %swap3A = arith.index_cast %add3A_185 : i32 to index
        %swap3A_196 = arith.constant 0 : index
        %swap3A_197 = tpu.vector_load %arg13[%swap3A, %swap3A_196] {strides = array<i32>} : memref<128x16xf32, #tpu.memory_space<vmem>>, vector<1x16xf32>,
        %swap3A_198 = vector.shape_cast %swap3A_197 : vector<1x16xf32> to vector<16xf32>
        %swap3A_199 = vector.shape_cast %max3A_195 : vector<16xf32> to vector<1x16xf32>
        tpu.vector_store %arg13[%swap3A, %swap3A_196], %swap3A_199 {strides = array<i32>} : memref<128x16xf32, #tpu.memory_space<vmem>>, vector<1x16xf32>,
        %mul3A_200 = arith.constant 8 : i32
        %mul3A_201 = arith.muli %scan3A_181, %mul3A_200 : i32
        %add3A_202 = arith.constant 1 : i32
        %add3A_203 = arith.addi %mul3A_201, %add3A_202 : i32
        %get3A_204 = arith.index_cast %add3A_203 : i32 to index
        %get3A_205 = arith.constant 0 : index
        %get3A_206 = tpu.vector_load %arg11[%get3A_204, %get3A_205] {strides = array<i32>} : memref<128x16xf32, #tpu.memory_space<vmem>>, vector<1x16xf32>,
        %get3A_207 = vector.shape_cast %get3A_206 : vector<1x16xf32> to vector<16xf32>
        %get3A_208 = arith.index_cast %scan3A_181 : i32 to index
        %get3A_209 = arith.constant 16 : index
        %get3A_210 = tpu.vector_load %arg9[%get3A_208, %get3A_209] {strides = array<i32>} : memref<16x128xf32, #tpu.memory_space<vmem>>, vector<1x16xf32>,
        %get3A_211 = vector.shape_cast %get3A_210 : vector<1x16xf32> to vector<16xf32>
        %add3A_212 = arith.addf %get3A_207, %get3A_211 : vector<16xf32>
        %max3A_213 = arith.constant 0.000000e+00 : f32
        %max3A_214 = vector.broadcast %max3A_213 : f32 to vector<16xf32>
        %max3A_215 = arith.maximumf %add3A_212, %max3A_214 : vector<16xf32>
        %swap3A_216 = arith.index_cast %add3A_203 : i32 to index
        %swap3A_217 = arith.constant 0 : index
        %swap3A_218 = tpu.vector_load %arg13[%swap3A_216, %swap3A_217] {strides = array<i32>} : memref<128x16xf32, #tpu.memory_space<vmem>>, vector<1x16xf32>,
        %swap3A_219 = vector.shape_cast %swap3A_218 : vector<1x16xf32> to vector<16xf32>
        %swap3A_220 = vector.shape_cast %max3A_215 : vector<16xf32> to vector<1x16xf32>
        tpu.vector_store %arg13[%swap3A_216, %swap3A_217], %swap3A_220 {strides = array<i32>} : memref<128x16xf32, #tpu.memory_space<vmem>>, vector<1x16xf32>,
        %mul3A_221 = arith.constant 8 : i32
        %mul3A_222 = arith.muli %scan3A_181, %mul3A_221 : i32
        %add3A_223 = arith.constant 2 : i32
        %add3A_224 = arith.addi %mul3A_222, %add3A_223 : i32
        %get3A_225 = arith.index_cast %add3A_224 : i32 to index
        %get3A_226 = arith.constant 0 : index
        %get3A_227 = tpu.vector_load %arg11[%get3A_225, %get3A_226] {strides = array<i32>} : memref<128x16xf32, #tpu.memory_space<vmem>>, vector<1x16xf32>,
        %get3A_228 = vector.shape_cast %get3A_227 : vector<1x16xf32> to vector<16xf32>
        %get3A_229 = arith.index_cast %scan3A_181 : i32 to index
        %get3A_230 = arith.constant 32 : index
        %get3A_231 = tpu.vector_load %arg9[%get3A_229, %get3A_230] {strides = array<i32>} : memref<16x128xf32, #tpu.memory_space<vmem>>, vector<1x16xf32>,
        %get3A_232 = vector.shape_cast %get3A_231 : vector<1x16xf32> to vector<16xf32>
        %add3A_233 = arith.addf %get3A_228, %get3A_232 : vector<16xf32>
        %max3A_234 = arith.constant 0.000000e+00 : f32
        %max3A_235 = vector.broadcast %max3A_234 : f32 to vector<16xf32>
        %max3A_236 = arith.maximumf %add3A_233, %max3A_235 : vector<16xf32>
        %swap3A_237 = arith.index_cast %add3A_224 : i32 to index
        %swap3A_238 = arith.constant 0 : index
        %swap3A_239 = tpu.vector_load %arg13[%swap3A_237, %swap3A_238] {strides = array<i32>} : memref<128x16xf32, #tpu.memory_space<vmem>>, vector<1x16xf32>,
        %swap3A_240 = vector.shape_cast %swap3A_239 : vector<1x16xf32> to vector<16xf32>
        %swap3A_241 = vector.shape_cast %max3A_236 : vector<16xf32> to vector<1x16xf32>
        tpu.vector_store %arg13[%swap3A_237, %swap3A_238], %swap3A_241 {strides = array<i32>} : memref<128x16xf32, #tpu.memory_space<vmem>>, vector<1x16xf32>,
        %mul3A_242 = arith.constant 8 : i32
        %mul3A_243 = arith.muli %scan3A_181, %mul3A_242 : i32
        %add3A_244 = arith.constant 3 : i32
        %add3A_245 = arith.addi %mul3A_243, %add3A_244 : i32
        %get3A_246 = arith.index_cast %add3A_245 : i32 to index
        %get3A_247 = arith.constant 0 : index
        %get3A_248 = tpu.vector_load %arg11[%get3A_246, %get3A_247] {strides = array<i32>} : memref<128x16xf32, #tpu.memory_space<vmem>>, vector<1x16xf32>,
        %get3A_249 = vector.shape_cast %get3A_248 : vector<1x16xf32> to vector<16xf32>
        %get3A_250 = arith.index_cast %scan3A_181 : i32 to index
        %get3A_251 = arith.constant 48 : index
        %get3A_252 = tpu.vector_load %arg9[%get3A_250, %get3A_251] {strides = array<i32>} : memref<16x128xf32, #tpu.memory_space<vmem>>, vector<1x16xf32>,
        %get3A_253 = vector.shape_cast %get3A_252 : vector<1x16xf32> to vector<16xf32>
        %add3A_254 = arith.addf %get3A_249, %get3A_253 : vector<16xf32>
        %max3A_255 = arith.constant 0.000000e+00 : f32
        %max3A_256 = vector.broadcast %max3A_255 : f32 to vector<16xf32>
        %max3A_257 = arith.maximumf %add3A_254, %max3A_256 : vector<16xf32>
        %swap3A_258 = arith.index_cast %add3A_245 : i32 to index
        %swap3A_259 = arith.constant 0 : index
        %swap3A_260 = tpu.vector_load %arg13[%swap3A_258, %swap3A_259] {strides = array<i32>} : memref<128x16xf32, #tpu.memory_space<vmem>>, vector<1x16xf32>,
        %swap3A_261 = vector.shape_cast %swap3A_260 : vector<1x16xf32> to vector<16xf32>
        %swap3A_262 = vector.shape_cast %max3A_257 : vector<16xf32> to vector<1x16xf32>
        tpu.vector_store %arg13[%swap3A_258, %swap3A_259], %swap3A_262 {strides = array<i32>} : memref<128x16xf32, #tpu.memory_space<vmem>>, vector<1x16xf32>,
        %mul3A_263 = arith.constant 8 : i32
        %mul3A_264 = arith.muli %scan3A_181, %mul3A_263 : i32
        %add3A_265 = arith.constant 4 : i32
        %add3A_266 = arith.addi %mul3A_264, %add3A_265 : i32
        %get3A_267 = arith.index_cast %add3A_266 : i32 to index
        %get3A_268 = arith.constant 0 : index
        %get3A_269 = tpu.vector_load %arg11[%get3A_267, %get3A_268] {strides = array<i32>} : memref<128x16xf32, #tpu.memory_space<vmem>>, vector<1x16xf32>,
        %get3A_270 = vector.shape_cast %get3A_269 : vector<1x16xf32> to vector<16xf32>
        %get3A_271 = arith.index_cast %scan3A_181 : i32 to index
        %get3A_272 = arith.constant 64 : index
        %get3A_273 = tpu.vector_load %arg9[%get3A_271, %get3A_272] {strides = array<i32>} : memref<16x128xf32, #tpu.memory_space<vmem>>, vector<1x16xf32>,
        %get3A_274 = vector.shape_cast %get3A_273 : vector<1x16xf32> to vector<16xf32>
        %add3A_275 = arith.addf %get3A_270, %get3A_274 : vector<16xf32>
        %max3A_276 = arith.constant 0.000000e+00 : f32
        %max3A_277 = vector.broadcast %max3A_276 : f32 to vector<16xf32>
        %max3A_278 = arith.maximumf %add3A_275, %max3A_277 : vector<16xf32>
        %swap3A_279 = arith.index_cast %add3A_266 : i32 to index
        %swap3A_280 = arith.constant 0 : index
        %swap3A_281 = tpu.vector_load %arg13[%swap3A_279, %swap3A_280] {strides = array<i32>} : memref<128x16xf32, #tpu.memory_space<vmem>>, vector<1x16xf32>,
        %swap3A_282 = vector.shape_cast %swap3A_281 : vector<1x16xf32> to vector<16xf32>
        %swap3A_283 = vector.shape_cast %max3A_278 : vector<16xf32> to vector<1x16xf32>
        tpu.vector_store %arg13[%swap3A_279, %swap3A_280], %swap3A_283 {strides = array<i32>} : memref<128x16xf32, #tpu.memory_space<vmem>>, vector<1x16xf32>,
        %mul3A_284 = arith.constant 8 : i32
        %mul3A_285 = arith.muli %scan3A_181, %mul3A_284 : i32
        %add3A_286 = arith.constant 5 : i32
        %add3A_287 = arith.addi %mul3A_285, %add3A_286 : i32
        %get3A_288 = arith.index_cast %add3A_287 : i32 to index
        %get3A_289 = arith.constant 0 : index
        %get3A_290 = tpu.vector_load %arg11[%get3A_288, %get3A_289] {strides = array<i32>} : memref<128x16xf32, #tpu.memory_space<vmem>>, vector<1x16xf32>,
        %get3A_291 = vector.shape_cast %get3A_290 : vector<1x16xf32> to vector<16xf32>
        %get3A_292 = arith.index_cast %scan3A_181 : i32 to index
        %get3A_293 = arith.constant 80 : index
        %get3A_294 = tpu.vector_load %arg9[%get3A_292, %get3A_293] {strides = array<i32>} : memref<16x128xf32, #tpu.memory_space<vmem>>, vector<1x16xf32>,
        %get3A_295 = vector.shape_cast %get3A_294 : vector<1x16xf32> to vector<16xf32>
        %add3A_296 = arith.addf %get3A_291, %get3A_295 : vector<16xf32>
        %max3A_297 = arith.constant 0.000000e+00 : f32
        %max3A_298 = vector.broadcast %max3A_297 : f32 to vector<16xf32>
        %max3A_299 = arith.maximumf %add3A_296, %max3A_298 : vector<16xf32>
        %swap3A_300 = arith.index_cast %add3A_287 : i32 to index
        %swap3A_301 = arith.constant 0 : index
        %swap3A_302 = tpu.vector_load %arg13[%swap3A_300, %swap3A_301] {strides = array<i32>} : memref<128x16xf32, #tpu.memory_space<vmem>>, vector<1x16xf32>,
        %swap3A_303 = vector.shape_cast %swap3A_302 : vector<1x16xf32> to vector<16xf32>
        %swap3A_304 = vector.shape_cast %max3A_299 : vector<16xf32> to vector<1x16xf32>
        tpu.vector_store %arg13[%swap3A_300, %swap3A_301], %swap3A_304 {strides = array<i32>} : memref<128x16xf32, #tpu.memory_space<vmem>>, vector<1x16xf32>,
        %mul3A_305 = arith.constant 8 : i32
        %mul3A_306 = arith.muli %scan3A_181, %mul3A_305 : i32
        %add3A_307 = arith.constant 6 : i32
        %add3A_308 = arith.addi %mul3A_306, %add3A_307 : i32
        %get3A_309 = arith.index_cast %add3A_308 : i32 to index
        %get3A_310 = arith.constant 0 : index
        %get3A_311 = tpu.vector_load %arg11[%get3A_309, %get3A_310] {strides = array<i32>} : memref<128x16xf32, #tpu.memory_space<vmem>>, vector<1x16xf32>,
        %get3A_312 = vector.shape_cast %get3A_311 : vector<1x16xf32> to vector<16xf32>
        %get3A_313 = arith.index_cast %scan3A_181 : i32 to index
        %get3A_314 = arith.constant 96 : index
        %get3A_315 = tpu.vector_load %arg9[%get3A_313, %get3A_314] {strides = array<i32>} : memref<16x128xf32, #tpu.memory_space<vmem>>, vector<1x16xf32>,
        %get3A_316 = vector.shape_cast %get3A_315 : vector<1x16xf32> to vector<16xf32>
        %add3A_317 = arith.addf %get3A_312, %get3A_316 : vector<16xf32>
        %max3A_318 = arith.constant 0.000000e+00 : f32
        %max3A_319 = vector.broadcast %max3A_318 : f32 to vector<16xf32>
        %max3A_320 = arith.maximumf %add3A_317, %max3A_319 : vector<16xf32>
        %swap3A_321 = arith.index_cast %add3A_308 : i32 to index
        %swap3A_322 = arith.constant 0 : index
        %swap3A_323 = tpu.vector_load %arg13[%swap3A_321, %swap3A_322] {strides = array<i32>} : memref<128x16xf32, #tpu.memory_space<vmem>>, vector<1x16xf32>,
        %swap3A_324 = vector.shape_cast %swap3A_323 : vector<1x16xf32> to vector<16xf32>
        %swap3A_325 = vector.shape_cast %max3A_320 : vector<16xf32> to vector<1x16xf32>
        tpu.vector_store %arg13[%swap3A_321, %swap3A_322], %swap3A_325 {strides = array<i32>} : memref<128x16xf32, #tpu.memory_space<vmem>>, vector<1x16xf32>,
        %mul3A_326 = arith.constant 8 : i32
        %mul3A_327 = arith.muli %scan3A_181, %mul3A_326 : i32
        %add3A_328 = arith.constant 7 : i32
        %add3A_329 = arith.addi %mul3A_327, %add3A_328 : i32
        %get3A_330 = arith.index_cast %add3A_329 : i32 to index
        %get3A_331 = arith.constant 0 : index
        %get3A_332 = tpu.vector_load %arg11[%get3A_330, %get3A_331] {strides = array<i32>} : memref<128x16xf32, #tpu.memory_space<vmem>>, vector<1x16xf32>,
        %get3A_333 = vector.shape_cast %get3A_332 : vector<1x16xf32> to vector<16xf32>
        %get3A_334 = arith.index_cast %scan3A_181 : i32 to index
        %get3A_335 = arith.constant 112 : index
        %get3A_336 = tpu.vector_load %arg9[%get3A_334, %get3A_335] {strides = array<i32>} : memref<16x128xf32, #tpu.memory_space<vmem>>, vector<1x16xf32>,
        %get3A_337 = vector.shape_cast %get3A_336 : vector<1x16xf32> to vector<16xf32>
        %add3A_338 = arith.addf %get3A_333, %get3A_337 : vector<16xf32>
        %max3A_339 = arith.constant 0.000000e+00 : f32
        %max3A_340 = vector.broadcast %max3A_339 : f32 to vector<16xf32>
        %max3A_341 = arith.maximumf %add3A_338, %max3A_340 : vector<16xf32>
        %swap3A_342 = arith.index_cast %add3A_329 : i32 to index
        %swap3A_343 = arith.constant 0 : index
        %swap3A_344 = tpu.vector_load %arg13[%swap3A_342, %swap3A_343] {strides = array<i32>} : memref<128x16xf32, #tpu.memory_space<vmem>>, vector<1x16xf32>,
        %swap3A_345 = vector.shape_cast %swap3A_344 : vector<1x16xf32> to vector<16xf32>
        %swap3A_346 = vector.shape_cast %max3A_341 : vector<16xf32> to vector<1x16xf32>
        tpu.vector_store %arg13[%swap3A_342, %swap3A_343], %swap3A_346 {strides = array<i32>} : memref<128x16xf32, #tpu.memory_space<vmem>>, vector<1x16xf32>,
      }
      %scan3A_124 = arith.constant 16 : i32
      %dma_start3A_125 = arith.constant 0 : i32
      %dma_start3A_126 = tpu.memref_slice %arg8[%add3A_84, %dma_start3A_125] : memref<80x128xi32, #tpu.memory_space<vmem>> -> memref<1x128xi32, #tpu.memory_space<vmem>>
      %dma_start3A_127 = tpu.memref_squeeze %dma_start3A_126 : memref<1x128xi32, #tpu.memory_space<vmem>> -> memref<128xi32, #tpu.memory_space<vmem>>
      %dma_start3A_128 = arith.constant 0 : i32
      %dma_start3A_129 = tpu.memref_slice %arg20[%dma_start3A_128] : memref<10240xf32, #tpu.memory_space<vmem_shared>> -> memref<10240xf32, #tpu.memory_space<vmem_shared>>
      tpu.enqueue_indirect_dma source(%arg15 : memref<128xf32, #tpu.memory_space<vmem>>) target(%dma_start3A_129 : memref<10240xf32, #tpu.memory_space<vmem_shared>>) offsets(%dma_start3A_127 : memref<128xi32, #tpu.memory_space<vmem>>) semaphore(%arg27 : memref<!tpu.dma_semaphore, #tpu.memory_space<semaphore_mem>>) {add = true}
      %dma_start3A_130 = arith.constant 0 : i32
      %dma_start3A_131 = tpu.memref_slice %arg8[%add3A_84, %dma_start3A_130] : memref<80x128xi32, #tpu.memory_space<vmem>> -> memref<1x128xi32, #tpu.memory_space<vmem>>
      %dma_start3A_132 = tpu.memref_squeeze %dma_start3A_131 : memref<1x128xi32, #tpu.memory_space<vmem>> -> memref<128xi32, #tpu.memory_space<vmem>>
      %dma_start3A_133 = arith.constant 0 : i32
      %dma_start3A_134 = arith.constant 0 : i32
      %dma_start3A_135 = tpu.memref_slice %arg19[%dma_start3A_133, %dma_start3A_134] : memref<10240x16xf32, #tpu.memory_space<vmem_shared>> -> memref<10240x16xf32, #tpu.memory_space<vmem_shared>>
      tpu.enqueue_indirect_dma source(%arg13 : memref<128x16xf32, #tpu.memory_space<vmem>>) target(%dma_start3A_135 : memref<10240x16xf32, #tpu.memory_space<vmem_shared>>) offsets(%dma_start3A_132 : memref<128xi32, #tpu.memory_space<vmem>>) semaphore(%arg25 : memref<!tpu.dma_semaphore, #tpu.memory_space<semaphore_mem>>) {add = true}
      %mul3A_136 = arith.constant 2 : i32
      %mul3A_137 = arith.muli %mul3A_136, %scan3A_80 : i32
      %add3A_138 = arith.constant 1 : i32
      %add3A_139 = arith.addi %mul3A_137, %add3A_138 : i32
      %lt3A = arith.constant 39 : i32
      %lt3A_140 = arith.cmpi slt, %scan3A_80, %lt3A : i32
      %convert_element_type3A_141 = arith.extui %lt3A_140 : i1 to i32
      %cond3A_142 = arith.constant 0 : i32
      %cond3A_143 = arith.cmpi ne, %convert_element_type3A_141, %cond3A_142 : i32
      scf.if %cond3A_143 {
        %add3A_181 = arith.constant 1 : i32
        %add3A_182 = arith.addi %add3A_139, %add3A_181 : i32
        %mul3A_183 = arith.constant 1250 : i32
        %mul3A_184 = arith.muli %add3A, %mul3A_183 : i32
        %mul3A_185 = arith.constant 16 : i32
        %mul3A_186 = arith.muli %add3A_182, %mul3A_185 : i32
        %add3A_187 = arith.addi %mul3A_184, %mul3A_186 : i32
        %dma_start3A_188 = arith.constant 0 : i32
        %dma_start3A_189 = tpu.memref_slice %arg3[%add3A_187, %dma_start3A_188] : memref<40032x128xf32, #tpu.memory_space<hbm>> -> memref<16x128xf32, #tpu.memory_space<hbm>>
        %dma_start3A_190 = arith.constant 0 : i32
        %dma_start3A_191 = tpu.memref_slice %arg3[%add3A_187, %dma_start3A_190] : memref<40032x128xf32, #tpu.memory_space<hbm>> -> memref<16x128xf32, #tpu.memory_space<hbm>>
        tpu.enqueue_dma source(%dma_start3A_191 : memref<16x128xf32, #tpu.memory_space<hbm>>) target(%arg9 : memref<16x128xf32, #tpu.memory_space<vmem>>) target_semaphore(%arg21 : memref<!tpu.dma_semaphore, #tpu.memory_space<semaphore_mem>>)
        %dma_start3A_192 = arith.constant 0 : i32
        %dma_start3A_193 = tpu.memref_slice %arg7[%add3A_182, %dma_start3A_192] : memref<80x128xi32, #tpu.memory_space<vmem>> -> memref<1x128xi32, #tpu.memory_space<vmem>>
        %dma_start3A_194 = tpu.memref_squeeze %dma_start3A_193 : memref<1x128xi32, #tpu.memory_space<vmem>> -> memref<128xi32, #tpu.memory_space<vmem>>
        %dma_start3A_195 = arith.constant 0 : i32
        %dma_start3A_196 = arith.constant 0 : i32
        %dma_start3A_197 = tpu.memref_slice %arg2[%dma_start3A_195, %dma_start3A_196] : memref<10000x16xf32, #tpu.memory_space<hbm>> -> memref<10000x16xf32, #tpu.memory_space<hbm>>
        tpu.enqueue_indirect_dma source(%dma_start3A_197 : memref<10000x16xf32, #tpu.memory_space<hbm>>) target(%arg11 : memref<128x16xf32, #tpu.memory_space<vmem>>) offsets(%dma_start3A_194 : memref<128xi32, #tpu.memory_space<vmem>>) semaphore(%arg23 : memref<!tpu.dma_semaphore, #tpu.memory_space<semaphore_mem>>)
      } else {
      }
      %mul3A_144 = arith.constant 1250 : i32
      %mul3A_145 = arith.muli %add3A, %mul3A_144 : i32
      %mul3A_146 = arith.constant 16 : i32
      %mul3A_147 = arith.muli %add3A_139, %mul3A_146 : i32
      %add3A_148 = arith.addi %mul3A_145, %mul3A_147 : i32
      %dma_wait3A_149 = arith.constant 0 : i32
      %dma_wait3A_150 = tpu.memref_slice %arg3[%add3A_148, %dma_wait3A_149] : memref<40032x128xf32, #tpu.memory_space<hbm>> -> memref<16x128xf32, #tpu.memory_space<hbm>>
      %dma_wait3A_151 = arith.constant 0 : i32
      %dma_wait3A_152 = tpu.memref_slice %arg3[%add3A_148, %dma_wait3A_151] : memref<40032x128xf32, #tpu.memory_space<hbm>> -> memref<16x128xf32, #tpu.memory_space<hbm>>
      tpu.wait_dma2 semaphore(%arg22 : memref<!tpu.dma_semaphore, #tpu.memory_space<semaphore_mem>>) src(%dma_wait3A_152 : memref<16x128xf32, #tpu.memory_space<hbm>>) dst(%arg10 : memref<16x128xf32, #tpu.memory_space<vmem>>)
      %dma_wait3A_153 = arith.constant 0 : i32
      %dma_wait3A_154 = tpu.memref_slice %arg7[%add3A_139, %dma_wait3A_153] : memref<80x128xi32, #tpu.memory_space<vmem>> -> memref<1x128xi32, #tpu.memory_space<vmem>>
      %dma_wait3A_155 = tpu.memref_squeeze %dma_wait3A_154 : memref<1x128xi32, #tpu.memory_space<vmem>> -> memref<128xi32, #tpu.memory_space<vmem>>
      %dma_wait3A_156 = arith.constant 0 : i32
      %dma_wait3A_157 = arith.constant 0 : i32
      %dma_wait3A_158 = tpu.memref_slice %arg2[%dma_wait3A_156, %dma_wait3A_157] : memref<10000x16xf32, #tpu.memory_space<hbm>> -> memref<10000x16xf32, #tpu.memory_space<hbm>>
      tpu.wait_indirect_dma semaphore(%arg24 : memref<!tpu.dma_semaphore, #tpu.memory_space<semaphore_mem>>) src(%dma_wait3A_158 : memref<10000x16xf32, #tpu.memory_space<hbm>>) dst(%arg12 : memref<128x16xf32, #tpu.memory_space<vmem>>)
      %ge3A_159 = arith.constant 1 : i32
      %ge3A_160 = arith.cmpi sge, %scan3A_80, %ge3A_159 : i32
      %convert_element_type3A_161 = arith.extui %ge3A_160 : i1 to i32
      %cond3A_162 = arith.constant 0 : i32
      %cond3A_163 = arith.cmpi ne, %convert_element_type3A_161, %cond3A_162 : i32
      scf.if %cond3A_163 {
        %dma_wait3A_181 = arith.constant 0 : i32
        %dma_wait3A_182 = tpu.memref_slice %arg8[%add3A_139, %dma_wait3A_181] : memref<80x128xi32, #tpu.memory_space<vmem>> -> memref<1x128xi32, #tpu.memory_space<vmem>>
        %dma_wait3A_183 = tpu.memref_squeeze %dma_wait3A_182 : memref<1x128xi32, #tpu.memory_space<vmem>> -> memref<128xi32, #tpu.memory_space<vmem>>
        %dma_wait3A_184 = arith.constant 0 : i32
        %dma_wait3A_185 = arith.constant 0 : i32
        %dma_wait3A_186 = tpu.memref_slice %arg19[%dma_wait3A_184, %dma_wait3A_185] : memref<10240x16xf32, #tpu.memory_space<vmem_shared>> -> memref<10240x16xf32, #tpu.memory_space<vmem_shared>>
        tpu.wait_indirect_dma semaphore(%arg26 : memref<!tpu.dma_semaphore, #tpu.memory_space<semaphore_mem>>) src(%arg14 : memref<128x16xf32, #tpu.memory_space<vmem>>) dst(%dma_wait3A_186 : memref<10240x16xf32, #tpu.memory_space<vmem_shared>>)
      } else {
      }
      %scan3A_164 = arith.constant 0 : i32
      %scan3A_165 = arith.constant 0 : i32
      %scan3A_166 = arith.constant 16 : i32
      %scan3A_167 = arith.addi %scan3A_165, %scan3A_166 : i32
      %scan3A_168 = arith.constant 1 : i32
      scf.for %scan3A_181 = %scan3A_165 to %scan3A_167 step %scan3A_168  : i32 {
        %mul3A_182 = arith.constant 8 : i32
        %mul3A_183 = arith.muli %scan3A_181, %mul3A_182 : i32
        %add3A_184 = arith.constant 0 : i32
        %add3A_185 = arith.addi %mul3A_183, %add3A_184 : i32
        %get3A = arith.index_cast %add3A_185 : i32 to index
        %get3A_186 = arith.constant 0 : index
        %get3A_187 = tpu.vector_load %arg12[%get3A, %get3A_186] {strides = array<i32>} : memref<128x16xf32, #tpu.memory_space<vmem>>, vector<1x16xf32>,
        %get3A_188 = vector.shape_cast %get3A_187 : vector<1x16xf32> to vector<16xf32>
        %get3A_189 = arith.index_cast %scan3A_181 : i32 to index
        %get3A_190 = arith.constant 0 : index
        %get3A_191 = tpu.vector_load %arg10[%get3A_189, %get3A_190] {strides = array<i32>} : memref<16x128xf32, #tpu.memory_space<vmem>>, vector<1x16xf32>,
        %get3A_192 = vector.shape_cast %get3A_191 : vector<1x16xf32> to vector<16xf32>
        %add3A_193 = arith.addf %get3A_188, %get3A_192 : vector<16xf32>
        %max3A = arith.constant 0.000000e+00 : f32
        %max3A_194 = vector.broadcast %max3A : f32 to vector<16xf32>
        %max3A_195 = arith.maximumf %add3A_193, %max3A_194 : vector<16xf32>
        %swap3A = arith.index_cast %add3A_185 : i32 to index
        %swap3A_196 = arith.constant 0 : index
        %swap3A_197 = tpu.vector_load %arg14[%swap3A, %swap3A_196] {strides = array<i32>} : memref<128x16xf32, #tpu.memory_space<vmem>>, vector<1x16xf32>,
        %swap3A_198 = vector.shape_cast %swap3A_197 : vector<1x16xf32> to vector<16xf32>
        %swap3A_199 = vector.shape_cast %max3A_195 : vector<16xf32> to vector<1x16xf32>
        tpu.vector_store %arg14[%swap3A, %swap3A_196], %swap3A_199 {strides = array<i32>} : memref<128x16xf32, #tpu.memory_space<vmem>>, vector<1x16xf32>,
        %mul3A_200 = arith.constant 8 : i32
        %mul3A_201 = arith.muli %scan3A_181, %mul3A_200 : i32
        %add3A_202 = arith.constant 1 : i32
        %add3A_203 = arith.addi %mul3A_201, %add3A_202 : i32
        %get3A_204 = arith.index_cast %add3A_203 : i32 to index
        %get3A_205 = arith.constant 0 : index
        %get3A_206 = tpu.vector_load %arg12[%get3A_204, %get3A_205] {strides = array<i32>} : memref<128x16xf32, #tpu.memory_space<vmem>>, vector<1x16xf32>,
        %get3A_207 = vector.shape_cast %get3A_206 : vector<1x16xf32> to vector<16xf32>
        %get3A_208 = arith.index_cast %scan3A_181 : i32 to index
        %get3A_209 = arith.constant 16 : index
        %get3A_210 = tpu.vector_load %arg10[%get3A_208, %get3A_209] {strides = array<i32>} : memref<16x128xf32, #tpu.memory_space<vmem>>, vector<1x16xf32>,
        %get3A_211 = vector.shape_cast %get3A_210 : vector<1x16xf32> to vector<16xf32>
        %add3A_212 = arith.addf %get3A_207, %get3A_211 : vector<16xf32>
        %max3A_213 = arith.constant 0.000000e+00 : f32
        %max3A_214 = vector.broadcast %max3A_213 : f32 to vector<16xf32>
        %max3A_215 = arith.maximumf %add3A_212, %max3A_214 : vector<16xf32>
        %swap3A_216 = arith.index_cast %add3A_203 : i32 to index
        %swap3A_217 = arith.constant 0 : index
        %swap3A_218 = tpu.vector_load %arg14[%swap3A_216, %swap3A_217] {strides = array<i32>} : memref<128x16xf32, #tpu.memory_space<vmem>>, vector<1x16xf32>,
        %swap3A_219 = vector.shape_cast %swap3A_218 : vector<1x16xf32> to vector<16xf32>
        %swap3A_220 = vector.shape_cast %max3A_215 : vector<16xf32> to vector<1x16xf32>
        tpu.vector_store %arg14[%swap3A_216, %swap3A_217], %swap3A_220 {strides = array<i32>} : memref<128x16xf32, #tpu.memory_space<vmem>>, vector<1x16xf32>,
        %mul3A_221 = arith.constant 8 : i32
        %mul3A_222 = arith.muli %scan3A_181, %mul3A_221 : i32
        %add3A_223 = arith.constant 2 : i32
        %add3A_224 = arith.addi %mul3A_222, %add3A_223 : i32
        %get3A_225 = arith.index_cast %add3A_224 : i32 to index
        %get3A_226 = arith.constant 0 : index
        %get3A_227 = tpu.vector_load %arg12[%get3A_225, %get3A_226] {strides = array<i32>} : memref<128x16xf32, #tpu.memory_space<vmem>>, vector<1x16xf32>,
        %get3A_228 = vector.shape_cast %get3A_227 : vector<1x16xf32> to vector<16xf32>
        %get3A_229 = arith.index_cast %scan3A_181 : i32 to index
        %get3A_230 = arith.constant 32 : index
        %get3A_231 = tpu.vector_load %arg10[%get3A_229, %get3A_230] {strides = array<i32>} : memref<16x128xf32, #tpu.memory_space<vmem>>, vector<1x16xf32>,
        %get3A_232 = vector.shape_cast %get3A_231 : vector<1x16xf32> to vector<16xf32>
        %add3A_233 = arith.addf %get3A_228, %get3A_232 : vector<16xf32>
        %max3A_234 = arith.constant 0.000000e+00 : f32
        %max3A_235 = vector.broadcast %max3A_234 : f32 to vector<16xf32>
        %max3A_236 = arith.maximumf %add3A_233, %max3A_235 : vector<16xf32>
        %swap3A_237 = arith.index_cast %add3A_224 : i32 to index
        %swap3A_238 = arith.constant 0 : index
        %swap3A_239 = tpu.vector_load %arg14[%swap3A_237, %swap3A_238] {strides = array<i32>} : memref<128x16xf32, #tpu.memory_space<vmem>>, vector<1x16xf32>,
        %swap3A_240 = vector.shape_cast %swap3A_239 : vector<1x16xf32> to vector<16xf32>
        %swap3A_241 = vector.shape_cast %max3A_236 : vector<16xf32> to vector<1x16xf32>
        tpu.vector_store %arg14[%swap3A_237, %swap3A_238], %swap3A_241 {strides = array<i32>} : memref<128x16xf32, #tpu.memory_space<vmem>>, vector<1x16xf32>,
        %mul3A_242 = arith.constant 8 : i32
        %mul3A_243 = arith.muli %scan3A_181, %mul3A_242 : i32
        %add3A_244 = arith.constant 3 : i32
        %add3A_245 = arith.addi %mul3A_243, %add3A_244 : i32
        %get3A_246 = arith.index_cast %add3A_245 : i32 to index
        %get3A_247 = arith.constant 0 : index
        %get3A_248 = tpu.vector_load %arg12[%get3A_246, %get3A_247] {strides = array<i32>} : memref<128x16xf32, #tpu.memory_space<vmem>>, vector<1x16xf32>,
        %get3A_249 = vector.shape_cast %get3A_248 : vector<1x16xf32> to vector<16xf32>
        %get3A_250 = arith.index_cast %scan3A_181 : i32 to index
        %get3A_251 = arith.constant 48 : index
        %get3A_252 = tpu.vector_load %arg10[%get3A_250, %get3A_251] {strides = array<i32>} : memref<16x128xf32, #tpu.memory_space<vmem>>, vector<1x16xf32>,
        %get3A_253 = vector.shape_cast %get3A_252 : vector<1x16xf32> to vector<16xf32>
        %add3A_254 = arith.addf %get3A_249, %get3A_253 : vector<16xf32>
        %max3A_255 = arith.constant 0.000000e+00 : f32
        %max3A_256 = vector.broadcast %max3A_255 : f32 to vector<16xf32>
        %max3A_257 = arith.maximumf %add3A_254, %max3A_256 : vector<16xf32>
        %swap3A_258 = arith.index_cast %add3A_245 : i32 to index
        %swap3A_259 = arith.constant 0 : index
        %swap3A_260 = tpu.vector_load %arg14[%swap3A_258, %swap3A_259] {strides = array<i32>} : memref<128x16xf32, #tpu.memory_space<vmem>>, vector<1x16xf32>,
        %swap3A_261 = vector.shape_cast %swap3A_260 : vector<1x16xf32> to vector<16xf32>
        %swap3A_262 = vector.shape_cast %max3A_257 : vector<16xf32> to vector<1x16xf32>
        tpu.vector_store %arg14[%swap3A_258, %swap3A_259], %swap3A_262 {strides = array<i32>} : memref<128x16xf32, #tpu.memory_space<vmem>>, vector<1x16xf32>,
        %mul3A_263 = arith.constant 8 : i32
        %mul3A_264 = arith.muli %scan3A_181, %mul3A_263 : i32
        %add3A_265 = arith.constant 4 : i32
        %add3A_266 = arith.addi %mul3A_264, %add3A_265 : i32
        %get3A_267 = arith.index_cast %add3A_266 : i32 to index
        %get3A_268 = arith.constant 0 : index
        %get3A_269 = tpu.vector_load %arg12[%get3A_267, %get3A_268] {strides = array<i32>} : memref<128x16xf32, #tpu.memory_space<vmem>>, vector<1x16xf32>,
        %get3A_270 = vector.shape_cast %get3A_269 : vector<1x16xf32> to vector<16xf32>
        %get3A_271 = arith.index_cast %scan3A_181 : i32 to index
        %get3A_272 = arith.constant 64 : index
        %get3A_273 = tpu.vector_load %arg10[%get3A_271, %get3A_272] {strides = array<i32>} : memref<16x128xf32, #tpu.memory_space<vmem>>, vector<1x16xf32>,
        %get3A_274 = vector.shape_cast %get3A_273 : vector<1x16xf32> to vector<16xf32>
        %add3A_275 = arith.addf %get3A_270, %get3A_274 : vector<16xf32>
        %max3A_276 = arith.constant 0.000000e+00 : f32
        %max3A_277 = vector.broadcast %max3A_276 : f32 to vector<16xf32>
        %max3A_278 = arith.maximumf %add3A_275, %max3A_277 : vector<16xf32>
        %swap3A_279 = arith.index_cast %add3A_266 : i32 to index
        %swap3A_280 = arith.constant 0 : index
        %swap3A_281 = tpu.vector_load %arg14[%swap3A_279, %swap3A_280] {strides = array<i32>} : memref<128x16xf32, #tpu.memory_space<vmem>>, vector<1x16xf32>,
        %swap3A_282 = vector.shape_cast %swap3A_281 : vector<1x16xf32> to vector<16xf32>
        %swap3A_283 = vector.shape_cast %max3A_278 : vector<16xf32> to vector<1x16xf32>
        tpu.vector_store %arg14[%swap3A_279, %swap3A_280], %swap3A_283 {strides = array<i32>} : memref<128x16xf32, #tpu.memory_space<vmem>>, vector<1x16xf32>,
        %mul3A_284 = arith.constant 8 : i32
        %mul3A_285 = arith.muli %scan3A_181, %mul3A_284 : i32
        %add3A_286 = arith.constant 5 : i32
        %add3A_287 = arith.addi %mul3A_285, %add3A_286 : i32
        %get3A_288 = arith.index_cast %add3A_287 : i32 to index
        %get3A_289 = arith.constant 0 : index
        %get3A_290 = tpu.vector_load %arg12[%get3A_288, %get3A_289] {strides = array<i32>} : memref<128x16xf32, #tpu.memory_space<vmem>>, vector<1x16xf32>,
        %get3A_291 = vector.shape_cast %get3A_290 : vector<1x16xf32> to vector<16xf32>
        %get3A_292 = arith.index_cast %scan3A_181 : i32 to index
        %get3A_293 = arith.constant 80 : index
        %get3A_294 = tpu.vector_load %arg10[%get3A_292, %get3A_293] {strides = array<i32>} : memref<16x128xf32, #tpu.memory_space<vmem>>, vector<1x16xf32>,
        %get3A_295 = vector.shape_cast %get3A_294 : vector<1x16xf32> to vector<16xf32>
        %add3A_296 = arith.addf %get3A_291, %get3A_295 : vector<16xf32>
        %max3A_297 = arith.constant 0.000000e+00 : f32
        %max3A_298 = vector.broadcast %max3A_297 : f32 to vector<16xf32>
        %max3A_299 = arith.maximumf %add3A_296, %max3A_298 : vector<16xf32>
        %swap3A_300 = arith.index_cast %add3A_287 : i32 to index
        %swap3A_301 = arith.constant 0 : index
        %swap3A_302 = tpu.vector_load %arg14[%swap3A_300, %swap3A_301] {strides = array<i32>} : memref<128x16xf32, #tpu.memory_space<vmem>>, vector<1x16xf32>,
        %swap3A_303 = vector.shape_cast %swap3A_302 : vector<1x16xf32> to vector<16xf32>
        %swap3A_304 = vector.shape_cast %max3A_299 : vector<16xf32> to vector<1x16xf32>
        tpu.vector_store %arg14[%swap3A_300, %swap3A_301], %swap3A_304 {strides = array<i32>} : memref<128x16xf32, #tpu.memory_space<vmem>>, vector<1x16xf32>,
        %mul3A_305 = arith.constant 8 : i32
        %mul3A_306 = arith.muli %scan3A_181, %mul3A_305 : i32
        %add3A_307 = arith.constant 6 : i32
        %add3A_308 = arith.addi %mul3A_306, %add3A_307 : i32
        %get3A_309 = arith.index_cast %add3A_308 : i32 to index
        %get3A_310 = arith.constant 0 : index
        %get3A_311 = tpu.vector_load %arg12[%get3A_309, %get3A_310] {strides = array<i32>} : memref<128x16xf32, #tpu.memory_space<vmem>>, vector<1x16xf32>,
        %get3A_312 = vector.shape_cast %get3A_311 : vector<1x16xf32> to vector<16xf32>
        %get3A_313 = arith.index_cast %scan3A_181 : i32 to index
        %get3A_314 = arith.constant 96 : index
        %get3A_315 = tpu.vector_load %arg10[%get3A_313, %get3A_314] {strides = array<i32>} : memref<16x128xf32, #tpu.memory_space<vmem>>, vector<1x16xf32>,
        %get3A_316 = vector.shape_cast %get3A_315 : vector<1x16xf32> to vector<16xf32>
        %add3A_317 = arith.addf %get3A_312, %get3A_316 : vector<16xf32>
        %max3A_318 = arith.constant 0.000000e+00 : f32
        %max3A_319 = vector.broadcast %max3A_318 : f32 to vector<16xf32>
        %max3A_320 = arith.maximumf %add3A_317, %max3A_319 : vector<16xf32>
        %swap3A_321 = arith.index_cast %add3A_308 : i32 to index
        %swap3A_322 = arith.constant 0 : index
        %swap3A_323 = tpu.vector_load %arg14[%swap3A_321, %swap3A_322] {strides = array<i32>} : memref<128x16xf32, #tpu.memory_space<vmem>>, vector<1x16xf32>,
        %swap3A_324 = vector.shape_cast %swap3A_323 : vector<1x16xf32> to vector<16xf32>
        %swap3A_325 = vector.shape_cast %max3A_320 : vector<16xf32> to vector<1x16xf32>
        tpu.vector_store %arg14[%swap3A_321, %swap3A_322], %swap3A_325 {strides = array<i32>} : memref<128x16xf32, #tpu.memory_space<vmem>>, vector<1x16xf32>,
        %mul3A_326 = arith.constant 8 : i32
        %mul3A_327 = arith.muli %scan3A_181, %mul3A_326 : i32
        %add3A_328 = arith.constant 7 : i32
        %add3A_329 = arith.addi %mul3A_327, %add3A_328 : i32
        %get3A_330 = arith.index_cast %add3A_329 : i32 to index
        %get3A_331 = arith.constant 0 : index
        %get3A_332 = tpu.vector_load %arg12[%get3A_330, %get3A_331] {strides = array<i32>} : memref<128x16xf32, #tpu.memory_space<vmem>>, vector<1x16xf32>,
        %get3A_333 = vector.shape_cast %get3A_332 : vector<1x16xf32> to vector<16xf32>
        %get3A_334 = arith.index_cast %scan3A_181 : i32 to index
        %get3A_335 = arith.constant 112 : index
        %get3A_336 = tpu.vector_load %arg10[%get3A_334, %get3A_335] {strides = array<i32>} : memref<16x128xf32, #tpu.memory_space<vmem>>, vector<1x16xf32>,
        %get3A_337 = vector.shape_cast %get3A_336 : vector<1x16xf32> to vector<16xf32>
        %add3A_338 = arith.addf %get3A_333, %get3A_337 : vector<16xf32>
        %max3A_339 = arith.constant 0.000000e+00 : f32
        %max3A_340 = vector.broadcast %max3A_339 : f32 to vector<16xf32>
        %max3A_341 = arith.maximumf %add3A_338, %max3A_340 : vector<16xf32>
        %swap3A_342 = arith.index_cast %add3A_329 : i32 to index
        %swap3A_343 = arith.constant 0 : index
        %swap3A_344 = tpu.vector_load %arg14[%swap3A_342, %swap3A_343] {strides = array<i32>} : memref<128x16xf32, #tpu.memory_space<vmem>>, vector<1x16xf32>,
        %swap3A_345 = vector.shape_cast %swap3A_344 : vector<1x16xf32> to vector<16xf32>
        %swap3A_346 = vector.shape_cast %max3A_341 : vector<16xf32> to vector<1x16xf32>
        tpu.vector_store %arg14[%swap3A_342, %swap3A_343], %swap3A_346 {strides = array<i32>} : memref<128x16xf32, #tpu.memory_space<vmem>>, vector<1x16xf32>,
      }
      %scan3A_169 = arith.constant 16 : i32
      %dma_start3A_170 = arith.constant 0 : i32
      %dma_start3A_171 = tpu.memref_slice %arg8[%add3A_139, %dma_start3A_170] : memref<80x128xi32, #tpu.memory_space<vmem>> -> memref<1x128xi32, #tpu.memory_space<vmem>>
      %dma_start3A_172 = tpu.memref_squeeze %dma_start3A_171 : memref<1x128xi32, #tpu.memory_space<vmem>> -> memref<128xi32, #tpu.memory_space<vmem>>
      %dma_start3A_173 = arith.constant 0 : i32
      %dma_start3A_174 = tpu.memref_slice %arg20[%dma_start3A_173] : memref<10240xf32, #tpu.memory_space<vmem_shared>> -> memref<10240xf32, #tpu.memory_space<vmem_shared>>
      tpu.enqueue_indirect_dma source(%arg15 : memref<128xf32, #tpu.memory_space<vmem>>) target(%dma_start3A_174 : memref<10240xf32, #tpu.memory_space<vmem_shared>>) offsets(%dma_start3A_172 : memref<128xi32, #tpu.memory_space<vmem>>) semaphore(%arg27 : memref<!tpu.dma_semaphore, #tpu.memory_space<semaphore_mem>>) {add = true}
      %dma_start3A_175 = arith.constant 0 : i32
      %dma_start3A_176 = tpu.memref_slice %arg8[%add3A_139, %dma_start3A_175] : memref<80x128xi32, #tpu.memory_space<vmem>> -> memref<1x128xi32, #tpu.memory_space<vmem>>
      %dma_start3A_177 = tpu.memref_squeeze %dma_start3A_176 : memref<1x128xi32, #tpu.memory_space<vmem>> -> memref<128xi32, #tpu.memory_space<vmem>>
      %dma_start3A_178 = arith.constant 0 : i32
      %dma_start3A_179 = arith.constant 0 : i32
      %dma_start3A_180 = tpu.memref_slice %arg19[%dma_start3A_178, %dma_start3A_179] : memref<10240x16xf32, #tpu.memory_space<vmem_shared>> -> memref<10240x16xf32, #tpu.memory_space<vmem_shared>>
      tpu.enqueue_indirect_dma source(%arg14 : memref<128x16xf32, #tpu.memory_space<vmem>>) target(%dma_start3A_180 : memref<10240x16xf32, #tpu.memory_space<vmem_shared>>) offsets(%dma_start3A_177 : memref<128xi32, #tpu.memory_space<vmem>>) semaphore(%arg26 : memref<!tpu.dma_semaphore, #tpu.memory_space<semaphore_mem>>) {add = true}
    }
    %scan3A_42 = arith.constant 40 : i32
    %dma_wait3A = arith.constant 0 : i32
    %dma_wait3A_43 = arith.constant 0 : i32
    %dma_wait3A_44 = tpu.memref_slice %arg8[%dma_wait3A, %dma_wait3A_43] : memref<80x128xi32, #tpu.memory_space<vmem>> -> memref<1x128xi32, #tpu.memory_space<vmem>>
    %dma_wait3A_45 = tpu.memref_squeeze %dma_wait3A_44 : memref<1x128xi32, #tpu.memory_space<vmem>> -> memref<128xi32, #tpu.memory_space<vmem>>
    %dma_wait3A_46 = arith.constant 0 : i32
    %dma_wait3A_47 = arith.constant 0 : i32
    %dma_wait3A_48 = tpu.memref_slice %arg19[%dma_wait3A_46, %dma_wait3A_47] : memref<10240x16xf32, #tpu.memory_space<vmem_shared>> -> memref<10240x16xf32, #tpu.memory_space<vmem_shared>>
    tpu.wait_indirect_dma semaphore(%arg25 : memref<!tpu.dma_semaphore, #tpu.memory_space<semaphore_mem>>) src(%arg13 : memref<128x16xf32, #tpu.memory_space<vmem>>) dst(%dma_wait3A_48 : memref<10240x16xf32, #tpu.memory_space<vmem_shared>>)
    %dma_wait3A_49 = arith.constant 0 : i32
    %dma_wait3A_50 = arith.constant 0 : i32
    %dma_wait3A_51 = tpu.memref_slice %arg8[%dma_wait3A_49, %dma_wait3A_50] : memref<80x128xi32, #tpu.memory_space<vmem>> -> memref<1x128xi32, #tpu.memory_space<vmem>>
    %dma_wait3A_52 = tpu.memref_squeeze %dma_wait3A_51 : memref<1x128xi32, #tpu.memory_space<vmem>> -> memref<128xi32, #tpu.memory_space<vmem>>
    %dma_wait3A_53 = arith.constant 0 : i32
    %dma_wait3A_54 = arith.constant 0 : i32
    %dma_wait3A_55 = tpu.memref_slice %arg19[%dma_wait3A_53, %dma_wait3A_54] : memref<10240x16xf32, #tpu.memory_space<vmem_shared>> -> memref<10240x16xf32, #tpu.memory_space<vmem_shared>>
    tpu.wait_indirect_dma semaphore(%arg26 : memref<!tpu.dma_semaphore, #tpu.memory_space<semaphore_mem>>) src(%arg14 : memref<128x16xf32, #tpu.memory_space<vmem>>) dst(%dma_wait3A_55 : memref<10240x16xf32, #tpu.memory_space<vmem_shared>>)
    %scan3A_56 = arith.constant 0 : i32
    %scan3A_57 = arith.constant 0 : i32
    %scan3A_58 = arith.constant 80 : i32
    %scan3A_59 = arith.addi %scan3A_57, %scan3A_58 : i32
    %scan3A_60 = arith.constant 1 : i32
    scf.for %scan3A_80 = %scan3A_57 to %scan3A_59 step %scan3A_60  : i32 {
      %dma_wait3A_81 = arith.constant 0 : i32
      %dma_wait3A_82 = arith.constant 0 : i32
      %dma_wait3A_83 = tpu.memref_slice %arg8[%dma_wait3A_81, %dma_wait3A_82] : memref<80x128xi32, #tpu.memory_space<vmem>> -> memref<1x128xi32, #tpu.memory_space<vmem>>
      %dma_wait3A_84 = tpu.memref_squeeze %dma_wait3A_83 : memref<1x128xi32, #tpu.memory_space<vmem>> -> memref<128xi32, #tpu.memory_space<vmem>>
      %dma_wait3A_85 = arith.constant 0 : i32
      %dma_wait3A_86 = tpu.memref_slice %arg20[%dma_wait3A_85] : memref<10240xf32, #tpu.memory_space<vmem_shared>> -> memref<10240xf32, #tpu.memory_space<vmem_shared>>
      tpu.wait_indirect_dma semaphore(%arg27 : memref<!tpu.dma_semaphore, #tpu.memory_space<semaphore_mem>>) src(%arg15 : memref<128xf32, #tpu.memory_space<vmem>>) dst(%dma_wait3A_86 : memref<10240xf32, #tpu.memory_space<vmem_shared>>)
    }
    %scan3A_61 = arith.constant 80 : i32
    %barrier3A_62 = arith.constant 0 : index
    tpu.barrier barrier_id(%barrier3A_62)
    %mul3A_63 = arith.constant 640 : i32
    %mul3A_64 = arith.muli %arg1, %mul3A_63 : i32
    "tpu.region"() ({
      %run_scoped3A = tpu.sem_alloc : memref<!tpu.dma_semaphore, #tpu.memory_space<semaphore_mem>>
      %dma_start3A_80 = arith.constant 0 : i32
      %dma_start3A_81 = tpu.memref_slice %arg19[%mul3A_64, %dma_start3A_80] : memref<10240x16xf32, #tpu.memory_space<vmem_shared>> -> memref<640x16xf32, #tpu.memory_space<vmem_shared>>
      %dma_start3A_82 = arith.constant 0 : i32
      %dma_start3A_83 = tpu.memref_slice %arg19[%mul3A_64, %dma_start3A_82] : memref<10240x16xf32, #tpu.memory_space<vmem_shared>> -> memref<640x16xf32, #tpu.memory_space<vmem_shared>>
      tpu.enqueue_dma source(%dma_start3A_83 : memref<640x16xf32, #tpu.memory_space<vmem_shared>>) target(%arg16 : memref<640x16xf32, #tpu.memory_space<vmem>>) target_semaphore(%run_scoped3A : memref<!tpu.dma_semaphore, #tpu.memory_space<semaphore_mem>>)
      %dma_wait3A_84 = arith.constant 0 : i32
      %dma_wait3A_85 = tpu.memref_slice %arg19[%mul3A_64, %dma_wait3A_84] : memref<10240x16xf32, #tpu.memory_space<vmem_shared>> -> memref<640x16xf32, #tpu.memory_space<vmem_shared>>
      %dma_wait3A_86 = arith.constant 0 : i32
      %dma_wait3A_87 = tpu.memref_slice %arg19[%mul3A_64, %dma_wait3A_86] : memref<10240x16xf32, #tpu.memory_space<vmem_shared>> -> memref<640x16xf32, #tpu.memory_space<vmem_shared>>
      tpu.wait_dma2 semaphore(%run_scoped3A : memref<!tpu.dma_semaphore, #tpu.memory_space<semaphore_mem>>) src(%dma_wait3A_87 : memref<640x16xf32, #tpu.memory_space<vmem_shared>>) dst(%arg16 : memref<640x16xf32, #tpu.memory_space<vmem>>)
      tpu.yield
    }) : () -> ()
    %mul3A_65 = arith.constant 640 : i32
    %mul3A_66 = arith.muli %arg1, %mul3A_65 : i32
    "tpu.region"() ({
      %run_scoped3A = tpu.sem_alloc : memref<!tpu.dma_semaphore, #tpu.memory_space<semaphore_mem>>
      %dma_start3A_80 = tpu.memref_slice %arg20[%mul3A_66] : memref<10240xf32, #tpu.memory_space<vmem_shared>> -> memref<640xf32, #tpu.memory_space<vmem_shared>>
      %dma_start3A_81 = tpu.memref_slice %arg20[%mul3A_66] : memref<10240xf32, #tpu.memory_space<vmem_shared>> -> memref<640xf32, #tpu.memory_space<vmem_shared>>
      tpu.enqueue_dma source(%dma_start3A_81 : memref<640xf32, #tpu.memory_space<vmem_shared>>) target(%arg17 : memref<640xf32, #tpu.memory_space<vmem>>) target_semaphore(%run_scoped3A : memref<!tpu.dma_semaphore, #tpu.memory_space<semaphore_mem>>)
      %dma_wait3A_82 = tpu.memref_slice %arg20[%mul3A_66] : memref<10240xf32, #tpu.memory_space<vmem_shared>> -> memref<640xf32, #tpu.memory_space<vmem_shared>>
      %dma_wait3A_83 = tpu.memref_slice %arg20[%mul3A_66] : memref<10240xf32, #tpu.memory_space<vmem_shared>> -> memref<640xf32, #tpu.memory_space<vmem_shared>>
      tpu.wait_dma2 semaphore(%run_scoped3A : memref<!tpu.dma_semaphore, #tpu.memory_space<semaphore_mem>>) src(%dma_wait3A_83 : memref<640xf32, #tpu.memory_space<vmem_shared>>) dst(%arg17 : memref<640xf32, #tpu.memory_space<vmem>>)
      tpu.yield
    }) : () -> ()
    %iota3A = tpu.iota {dimensions = array<i32: 0>} : vector<16xi32>
    %eq3A = arith.constant 0 : i32
    %eq3A_67 = vector.broadcast %eq3A : i32 to vector<16xi32>
    %eq3A_68 = arith.cmpi eq, %iota3A, %eq3A_67 : vector<16xi32>
    %scan3A_69 = arith.constant 0 : i32
    %scan3A_70 = arith.constant 0 : i32
    %scan3A_71 = arith.constant 40 : i32
    %scan3A_72 = arith.addi %scan3A_70, %scan3A_71 : i32
    %scan3A_73 = arith.constant 1 : i32
    scf.for %scan3A_80 = %scan3A_70 to %scan3A_72 step %scan3A_73  : i32 {
      %mul3A_81 = arith.constant 16 : i32
      %mul3A_82 = arith.muli %scan3A_80, %mul3A_81 : i32
      %get3A = arith.index_cast %mul3A_82 : i32 to index
      %get3A_83 = tpu.vector_load %arg17[%get3A] {strides = array<i32>} : memref<640xf32, #tpu.memory_space<vmem>>, vector<16xf32>,
      %get3A_84 = vector.shape_cast %get3A_83 : vector<16xf32> to vector<16xf32>
      %mul3A_85 = arith.constant 16 : i32
      %mul3A_86 = arith.muli %scan3A_80, %mul3A_85 : i32
      %add3A_87 = arith.constant 0 : i32
      %add3A_88 = arith.addi %mul3A_86, %add3A_87 : i32
      %get3A_89 = arith.index_cast %add3A_88 : i32 to index
      %get3A_90 = arith.constant 0 : index
      %get3A_91 = tpu.vector_load %arg16[%get3A_89, %get3A_90] {strides = array<i32>} : memref<640x16xf32, #tpu.memory_space<vmem>>, vector<1x16xf32>,
      %get3A_92 = vector.shape_cast %get3A_91 : vector<1x16xf32> to vector<16xf32>
      %swap3A = arith.index_cast %add3A_88 : i32 to index
      %swap3A_93 = arith.constant 0 : index
      %swap3A_94 = tpu.vector_load %arg18[%swap3A, %swap3A_93] {strides = array<i32>} : memref<640x32xf32, #tpu.memory_space<vmem>>, vector<1x16xf32>,
      %swap3A_95 = vector.shape_cast %swap3A_94 : vector<1x16xf32> to vector<16xf32>
      %swap3A_96 = vector.shape_cast %get3A_92 : vector<16xf32> to vector<1x16xf32>
      tpu.vector_store %arg18[%swap3A, %swap3A_93], %swap3A_96 {strides = array<i32>} : memref<640x32xf32, #tpu.memory_space<vmem>>, vector<1x16xf32>,
      %slice3A = vector.extract_strided_slice %get3A_84 {offsets = [0], sizes = [1], strides = [1]} : vector<16xf32> to vector<1xf32>
      %squeeze3A = vector.extract %slice3A[0] : f32 from vector<1xf32>
      %jit3A = arith.constant 0.000000e+00 : f32
      %broadcast_in_dim3A_97 = vector.broadcast %squeeze3A : f32 to vector<16xf32>
      %broadcast_in_dim3A_98 = vector.broadcast %jit3A : f32 to vector<16xf32>
      %select_n3A = arith.select %eq3A_68, %broadcast_in_dim3A_97, %broadcast_in_dim3A_98 : vector<16xi1>, vector<16xf32>
      %swap3A_99 = arith.index_cast %add3A_88 : i32 to index
      %swap3A_100 = arith.constant 16 : index
      %swap3A_101 = tpu.vector_load %arg18[%swap3A_99, %swap3A_100] {strides = array<i32>} : memref<640x32xf32, #tpu.memory_space<vmem>>, vector<1x16xf32>,
      %swap3A_102 = vector.shape_cast %swap3A_101 : vector<1x16xf32> to vector<16xf32>
      %swap3A_103 = vector.shape_cast %select_n3A : vector<16xf32> to vector<1x16xf32>
      tpu.vector_store %arg18[%swap3A_99, %swap3A_100], %swap3A_103 {strides = array<i32>} : memref<640x32xf32, #tpu.memory_space<vmem>>, vector<1x16xf32>,
      %mul3A_104 = arith.constant 16 : i32
      %mul3A_105 = arith.muli %scan3A_80, %mul3A_104 : i32
      %add3A_106 = arith.constant 1 : i32
      %add3A_107 = arith.addi %mul3A_105, %add3A_106 : i32
      %get3A_108 = arith.index_cast %add3A_107 : i32 to index
      %get3A_109 = arith.constant 0 : index
      %get3A_110 = tpu.vector_load %arg16[%get3A_108, %get3A_109] {strides = array<i32>} : memref<640x16xf32, #tpu.memory_space<vmem>>, vector<1x16xf32>,
      %get3A_111 = vector.shape_cast %get3A_110 : vector<1x16xf32> to vector<16xf32>
      %swap3A_112 = arith.index_cast %add3A_107 : i32 to index
      %swap3A_113 = arith.constant 0 : index
      %swap3A_114 = tpu.vector_load %arg18[%swap3A_112, %swap3A_113] {strides = array<i32>} : memref<640x32xf32, #tpu.memory_space<vmem>>, vector<1x16xf32>,
      %swap3A_115 = vector.shape_cast %swap3A_114 : vector<1x16xf32> to vector<16xf32>
      %swap3A_116 = vector.shape_cast %get3A_111 : vector<16xf32> to vector<1x16xf32>
      tpu.vector_store %arg18[%swap3A_112, %swap3A_113], %swap3A_116 {strides = array<i32>} : memref<640x32xf32, #tpu.memory_space<vmem>>, vector<1x16xf32>,
      %slice3A_117 = vector.extract_strided_slice %get3A_84 {offsets = [1], sizes = [1], strides = [1]} : vector<16xf32> to vector<1xf32>
      %squeeze3A_118 = vector.extract %slice3A_117[0] : f32 from vector<1xf32>
      %jit3A_119 = arith.constant 0.000000e+00 : f32
      %broadcast_in_dim3A_120 = vector.broadcast %squeeze3A_118 : f32 to vector<16xf32>
      %broadcast_in_dim3A_121 = vector.broadcast %jit3A_119 : f32 to vector<16xf32>
      %select_n3A_122 = arith.select %eq3A_68, %broadcast_in_dim3A_120, %broadcast_in_dim3A_121 : vector<16xi1>, vector<16xf32>
      %swap3A_123 = arith.index_cast %add3A_107 : i32 to index
      %swap3A_124 = arith.constant 16 : index
      %swap3A_125 = tpu.vector_load %arg18[%swap3A_123, %swap3A_124] {strides = array<i32>} : memref<640x32xf32, #tpu.memory_space<vmem>>, vector<1x16xf32>,
      %swap3A_126 = vector.shape_cast %swap3A_125 : vector<1x16xf32> to vector<16xf32>
      %swap3A_127 = vector.shape_cast %select_n3A_122 : vector<16xf32> to vector<1x16xf32>
      tpu.vector_store %arg18[%swap3A_123, %swap3A_124], %swap3A_127 {strides = array<i32>} : memref<640x32xf32, #tpu.memory_space<vmem>>, vector<1x16xf32>,
      %mul3A_128 = arith.constant 16 : i32
      %mul3A_129 = arith.muli %scan3A_80, %mul3A_128 : i32
      %add3A_130 = arith.constant 2 : i32
      %add3A_131 = arith.addi %mul3A_129, %add3A_130 : i32
      %get3A_132 = arith.index_cast %add3A_131 : i32 to index
      %get3A_133 = arith.constant 0 : index
      %get3A_134 = tpu.vector_load %arg16[%get3A_132, %get3A_133] {strides = array<i32>} : memref<640x16xf32, #tpu.memory_space<vmem>>, vector<1x16xf32>,
      %get3A_135 = vector.shape_cast %get3A_134 : vector<1x16xf32> to vector<16xf32>
      %swap3A_136 = arith.index_cast %add3A_131 : i32 to index
      %swap3A_137 = arith.constant 0 : index
      %swap3A_138 = tpu.vector_load %arg18[%swap3A_136, %swap3A_137] {strides = array<i32>} : memref<640x32xf32, #tpu.memory_space<vmem>>, vector<1x16xf32>,
      %swap3A_139 = vector.shape_cast %swap3A_138 : vector<1x16xf32> to vector<16xf32>
      %swap3A_140 = vector.shape_cast %get3A_135 : vector<16xf32> to vector<1x16xf32>
      tpu.vector_store %arg18[%swap3A_136, %swap3A_137], %swap3A_140 {strides = array<i32>} : memref<640x32xf32, #tpu.memory_space<vmem>>, vector<1x16xf32>,
      %slice3A_141 = vector.extract_strided_slice %get3A_84 {offsets = [2], sizes = [1], strides = [1]} : vector<16xf32> to vector<1xf32>
      %squeeze3A_142 = vector.extract %slice3A_141[0] : f32 from vector<1xf32>
      %jit3A_143 = arith.constant 0.000000e+00 : f32
      %broadcast_in_dim3A_144 = vector.broadcast %squeeze3A_142 : f32 to vector<16xf32>
      %broadcast_in_dim3A_145 = vector.broadcast %jit3A_143 : f32 to vector<16xf32>
      %select_n3A_146 = arith.select %eq3A_68, %broadcast_in_dim3A_144, %broadcast_in_dim3A_145 : vector<16xi1>, vector<16xf32>
      %swap3A_147 = arith.index_cast %add3A_131 : i32 to index
      %swap3A_148 = arith.constant 16 : index
      %swap3A_149 = tpu.vector_load %arg18[%swap3A_147, %swap3A_148] {strides = array<i32>} : memref<640x32xf32, #tpu.memory_space<vmem>>, vector<1x16xf32>,
      %swap3A_150 = vector.shape_cast %swap3A_149 : vector<1x16xf32> to vector<16xf32>
      %swap3A_151 = vector.shape_cast %select_n3A_146 : vector<16xf32> to vector<1x16xf32>
      tpu.vector_store %arg18[%swap3A_147, %swap3A_148], %swap3A_151 {strides = array<i32>} : memref<640x32xf32, #tpu.memory_space<vmem>>, vector<1x16xf32>,
      %mul3A_152 = arith.constant 16 : i32
      %mul3A_153 = arith.muli %scan3A_80, %mul3A_152 : i32
      %add3A_154 = arith.constant 3 : i32
      %add3A_155 = arith.addi %mul3A_153, %add3A_154 : i32
      %get3A_156 = arith.index_cast %add3A_155 : i32 to index
      %get3A_157 = arith.constant 0 : index
      %get3A_158 = tpu.vector_load %arg16[%get3A_156, %get3A_157] {strides = array<i32>} : memref<640x16xf32, #tpu.memory_space<vmem>>, vector<1x16xf32>,
      %get3A_159 = vector.shape_cast %get3A_158 : vector<1x16xf32> to vector<16xf32>
      %swap3A_160 = arith.index_cast %add3A_155 : i32 to index
      %swap3A_161 = arith.constant 0 : index
      %swap3A_162 = tpu.vector_load %arg18[%swap3A_160, %swap3A_161] {strides = array<i32>} : memref<640x32xf32, #tpu.memory_space<vmem>>, vector<1x16xf32>,
      %swap3A_163 = vector.shape_cast %swap3A_162 : vector<1x16xf32> to vector<16xf32>
      %swap3A_164 = vector.shape_cast %get3A_159 : vector<16xf32> to vector<1x16xf32>
      tpu.vector_store %arg18[%swap3A_160, %swap3A_161], %swap3A_164 {strides = array<i32>} : memref<640x32xf32, #tpu.memory_space<vmem>>, vector<1x16xf32>,
      %slice3A_165 = vector.extract_strided_slice %get3A_84 {offsets = [3], sizes = [1], strides = [1]} : vector<16xf32> to vector<1xf32>
      %squeeze3A_166 = vector.extract %slice3A_165[0] : f32 from vector<1xf32>
      %jit3A_167 = arith.constant 0.000000e+00 : f32
      %broadcast_in_dim3A_168 = vector.broadcast %squeeze3A_166 : f32 to vector<16xf32>
      %broadcast_in_dim3A_169 = vector.broadcast %jit3A_167 : f32 to vector<16xf32>
      %select_n3A_170 = arith.select %eq3A_68, %broadcast_in_dim3A_168, %broadcast_in_dim3A_169 : vector<16xi1>, vector<16xf32>
      %swap3A_171 = arith.index_cast %add3A_155 : i32 to index
      %swap3A_172 = arith.constant 16 : index
      %swap3A_173 = tpu.vector_load %arg18[%swap3A_171, %swap3A_172] {strides = array<i32>} : memref<640x32xf32, #tpu.memory_space<vmem>>, vector<1x16xf32>,
      %swap3A_174 = vector.shape_cast %swap3A_173 : vector<1x16xf32> to vector<16xf32>
      %swap3A_175 = vector.shape_cast %select_n3A_170 : vector<16xf32> to vector<1x16xf32>
      tpu.vector_store %arg18[%swap3A_171, %swap3A_172], %swap3A_175 {strides = array<i32>} : memref<640x32xf32, #tpu.memory_space<vmem>>, vector<1x16xf32>,
      %mul3A_176 = arith.constant 16 : i32
      %mul3A_177 = arith.muli %scan3A_80, %mul3A_176 : i32
      %add3A_178 = arith.constant 4 : i32
      %add3A_179 = arith.addi %mul3A_177, %add3A_178 : i32
      %get3A_180 = arith.index_cast %add3A_179 : i32 to index
      %get3A_181 = arith.constant 0 : index
      %get3A_182 = tpu.vector_load %arg16[%get3A_180, %get3A_181] {strides = array<i32>} : memref<640x16xf32, #tpu.memory_space<vmem>>, vector<1x16xf32>,
      %get3A_183 = vector.shape_cast %get3A_182 : vector<1x16xf32> to vector<16xf32>
      %swap3A_184 = arith.index_cast %add3A_179 : i32 to index
      %swap3A_185 = arith.constant 0 : index
      %swap3A_186 = tpu.vector_load %arg18[%swap3A_184, %swap3A_185] {strides = array<i32>} : memref<640x32xf32, #tpu.memory_space<vmem>>, vector<1x16xf32>,
      %swap3A_187 = vector.shape_cast %swap3A_186 : vector<1x16xf32> to vector<16xf32>
      %swap3A_188 = vector.shape_cast %get3A_183 : vector<16xf32> to vector<1x16xf32>
      tpu.vector_store %arg18[%swap3A_184, %swap3A_185], %swap3A_188 {strides = array<i32>} : memref<640x32xf32, #tpu.memory_space<vmem>>, vector<1x16xf32>,
      %slice3A_189 = vector.extract_strided_slice %get3A_84 {offsets = [4], sizes = [1], strides = [1]} : vector<16xf32> to vector<1xf32>
      %squeeze3A_190 = vector.extract %slice3A_189[0] : f32 from vector<1xf32>
      %jit3A_191 = arith.constant 0.000000e+00 : f32
      %broadcast_in_dim3A_192 = vector.broadcast %squeeze3A_190 : f32 to vector<16xf32>
      %broadcast_in_dim3A_193 = vector.broadcast %jit3A_191 : f32 to vector<16xf32>
      %select_n3A_194 = arith.select %eq3A_68, %broadcast_in_dim3A_192, %broadcast_in_dim3A_193 : vector<16xi1>, vector<16xf32>
      %swap3A_195 = arith.index_cast %add3A_179 : i32 to index
      %swap3A_196 = arith.constant 16 : index
      %swap3A_197 = tpu.vector_load %arg18[%swap3A_195, %swap3A_196] {strides = array<i32>} : memref<640x32xf32, #tpu.memory_space<vmem>>, vector<1x16xf32>,
      %swap3A_198 = vector.shape_cast %swap3A_197 : vector<1x16xf32> to vector<16xf32>
      %swap3A_199 = vector.shape_cast %select_n3A_194 : vector<16xf32> to vector<1x16xf32>
      tpu.vector_store %arg18[%swap3A_195, %swap3A_196], %swap3A_199 {strides = array<i32>} : memref<640x32xf32, #tpu.memory_space<vmem>>, vector<1x16xf32>,
      %mul3A_200 = arith.constant 16 : i32
      %mul3A_201 = arith.muli %scan3A_80, %mul3A_200 : i32
      %add3A_202 = arith.constant 5 : i32
      %add3A_203 = arith.addi %mul3A_201, %add3A_202 : i32
      %get3A_204 = arith.index_cast %add3A_203 : i32 to index
      %get3A_205 = arith.constant 0 : index
      %get3A_206 = tpu.vector_load %arg16[%get3A_204, %get3A_205] {strides = array<i32>} : memref<640x16xf32, #tpu.memory_space<vmem>>, vector<1x16xf32>,
      %get3A_207 = vector.shape_cast %get3A_206 : vector<1x16xf32> to vector<16xf32>
      %swap3A_208 = arith.index_cast %add3A_203 : i32 to index
      %swap3A_209 = arith.constant 0 : index
      %swap3A_210 = tpu.vector_load %arg18[%swap3A_208, %swap3A_209] {strides = array<i32>} : memref<640x32xf32, #tpu.memory_space<vmem>>, vector<1x16xf32>,
      %swap3A_211 = vector.shape_cast %swap3A_210 : vector<1x16xf32> to vector<16xf32>
      %swap3A_212 = vector.shape_cast %get3A_207 : vector<16xf32> to vector<1x16xf32>
      tpu.vector_store %arg18[%swap3A_208, %swap3A_209], %swap3A_212 {strides = array<i32>} : memref<640x32xf32, #tpu.memory_space<vmem>>, vector<1x16xf32>,
      %slice3A_213 = vector.extract_strided_slice %get3A_84 {offsets = [5], sizes = [1], strides = [1]} : vector<16xf32> to vector<1xf32>
      %squeeze3A_214 = vector.extract %slice3A_213[0] : f32 from vector<1xf32>
      %jit3A_215 = arith.constant 0.000000e+00 : f32
      %broadcast_in_dim3A_216 = vector.broadcast %squeeze3A_214 : f32 to vector<16xf32>
      %broadcast_in_dim3A_217 = vector.broadcast %jit3A_215 : f32 to vector<16xf32>
      %select_n3A_218 = arith.select %eq3A_68, %broadcast_in_dim3A_216, %broadcast_in_dim3A_217 : vector<16xi1>, vector<16xf32>
      %swap3A_219 = arith.index_cast %add3A_203 : i32 to index
      %swap3A_220 = arith.constant 16 : index
      %swap3A_221 = tpu.vector_load %arg18[%swap3A_219, %swap3A_220] {strides = array<i32>} : memref<640x32xf32, #tpu.memory_space<vmem>>, vector<1x16xf32>,
      %swap3A_222 = vector.shape_cast %swap3A_221 : vector<1x16xf32> to vector<16xf32>
      %swap3A_223 = vector.shape_cast %select_n3A_218 : vector<16xf32> to vector<1x16xf32>
      tpu.vector_store %arg18[%swap3A_219, %swap3A_220], %swap3A_223 {strides = array<i32>} : memref<640x32xf32, #tpu.memory_space<vmem>>, vector<1x16xf32>,
      %mul3A_224 = arith.constant 16 : i32
      %mul3A_225 = arith.muli %scan3A_80, %mul3A_224 : i32
      %add3A_226 = arith.constant 6 : i32
      %add3A_227 = arith.addi %mul3A_225, %add3A_226 : i32
      %get3A_228 = arith.index_cast %add3A_227 : i32 to index
      %get3A_229 = arith.constant 0 : index
      %get3A_230 = tpu.vector_load %arg16[%get3A_228, %get3A_229] {strides = array<i32>} : memref<640x16xf32, #tpu.memory_space<vmem>>, vector<1x16xf32>,
      %get3A_231 = vector.shape_cast %get3A_230 : vector<1x16xf32> to vector<16xf32>
      %swap3A_232 = arith.index_cast %add3A_227 : i32 to index
      %swap3A_233 = arith.constant 0 : index
      %swap3A_234 = tpu.vector_load %arg18[%swap3A_232, %swap3A_233] {strides = array<i32>} : memref<640x32xf32, #tpu.memory_space<vmem>>, vector<1x16xf32>,
      %swap3A_235 = vector.shape_cast %swap3A_234 : vector<1x16xf32> to vector<16xf32>
      %swap3A_236 = vector.shape_cast %get3A_231 : vector<16xf32> to vector<1x16xf32>
      tpu.vector_store %arg18[%swap3A_232, %swap3A_233], %swap3A_236 {strides = array<i32>} : memref<640x32xf32, #tpu.memory_space<vmem>>, vector<1x16xf32>,
      %slice3A_237 = vector.extract_strided_slice %get3A_84 {offsets = [6], sizes = [1], strides = [1]} : vector<16xf32> to vector<1xf32>
      %squeeze3A_238 = vector.extract %slice3A_237[0] : f32 from vector<1xf32>
      %jit3A_239 = arith.constant 0.000000e+00 : f32
      %broadcast_in_dim3A_240 = vector.broadcast %squeeze3A_238 : f32 to vector<16xf32>
      %broadcast_in_dim3A_241 = vector.broadcast %jit3A_239 : f32 to vector<16xf32>
      %select_n3A_242 = arith.select %eq3A_68, %broadcast_in_dim3A_240, %broadcast_in_dim3A_241 : vector<16xi1>, vector<16xf32>
      %swap3A_243 = arith.index_cast %add3A_227 : i32 to index
      %swap3A_244 = arith.constant 16 : index
      %swap3A_245 = tpu.vector_load %arg18[%swap3A_243, %swap3A_244] {strides = array<i32>} : memref<640x32xf32, #tpu.memory_space<vmem>>, vector<1x16xf32>,
      %swap3A_246 = vector.shape_cast %swap3A_245 : vector<1x16xf32> to vector<16xf32>
      %swap3A_247 = vector.shape_cast %select_n3A_242 : vector<16xf32> to vector<1x16xf32>
      tpu.vector_store %arg18[%swap3A_243, %swap3A_244], %swap3A_247 {strides = array<i32>} : memref<640x32xf32, #tpu.memory_space<vmem>>, vector<1x16xf32>,
      %mul3A_248 = arith.constant 16 : i32
      %mul3A_249 = arith.muli %scan3A_80, %mul3A_248 : i32
      %add3A_250 = arith.constant 7 : i32
      %add3A_251 = arith.addi %mul3A_249, %add3A_250 : i32
      %get3A_252 = arith.index_cast %add3A_251 : i32 to index
      %get3A_253 = arith.constant 0 : index
      %get3A_254 = tpu.vector_load %arg16[%get3A_252, %get3A_253] {strides = array<i32>} : memref<640x16xf32, #tpu.memory_space<vmem>>, vector<1x16xf32>,
      %get3A_255 = vector.shape_cast %get3A_254 : vector<1x16xf32> to vector<16xf32>
      %swap3A_256 = arith.index_cast %add3A_251 : i32 to index
      %swap3A_257 = arith.constant 0 : index
      %swap3A_258 = tpu.vector_load %arg18[%swap3A_256, %swap3A_257] {strides = array<i32>} : memref<640x32xf32, #tpu.memory_space<vmem>>, vector<1x16xf32>,
      %swap3A_259 = vector.shape_cast %swap3A_258 : vector<1x16xf32> to vector<16xf32>
      %swap3A_260 = vector.shape_cast %get3A_255 : vector<16xf32> to vector<1x16xf32>
      tpu.vector_store %arg18[%swap3A_256, %swap3A_257], %swap3A_260 {strides = array<i32>} : memref<640x32xf32, #tpu.memory_space<vmem>>, vector<1x16xf32>,
      %slice3A_261 = vector.extract_strided_slice %get3A_84 {offsets = [7], sizes = [1], strides = [1]} : vector<16xf32> to vector<1xf32>
      %squeeze3A_262 = vector.extract %slice3A_261[0] : f32 from vector<1xf32>
      %jit3A_263 = arith.constant 0.000000e+00 : f32
      %broadcast_in_dim3A_264 = vector.broadcast %squeeze3A_262 : f32 to vector<16xf32>
      %broadcast_in_dim3A_265 = vector.broadcast %jit3A_263 : f32 to vector<16xf32>
      %select_n3A_266 = arith.select %eq3A_68, %broadcast_in_dim3A_264, %broadcast_in_dim3A_265 : vector<16xi1>, vector<16xf32>
      %swap3A_267 = arith.index_cast %add3A_251 : i32 to index
      %swap3A_268 = arith.constant 16 : index
      %swap3A_269 = tpu.vector_load %arg18[%swap3A_267, %swap3A_268] {strides = array<i32>} : memref<640x32xf32, #tpu.memory_space<vmem>>, vector<1x16xf32>,
      %swap3A_270 = vector.shape_cast %swap3A_269 : vector<1x16xf32> to vector<16xf32>
      %swap3A_271 = vector.shape_cast %select_n3A_266 : vector<16xf32> to vector<1x16xf32>
      tpu.vector_store %arg18[%swap3A_267, %swap3A_268], %swap3A_271 {strides = array<i32>} : memref<640x32xf32, #tpu.memory_space<vmem>>, vector<1x16xf32>,
      %mul3A_272 = arith.constant 16 : i32
      %mul3A_273 = arith.muli %scan3A_80, %mul3A_272 : i32
      %add3A_274 = arith.constant 8 : i32
      %add3A_275 = arith.addi %mul3A_273, %add3A_274 : i32
      %get3A_276 = arith.index_cast %add3A_275 : i32 to index
      %get3A_277 = arith.constant 0 : index
      %get3A_278 = tpu.vector_load %arg16[%get3A_276, %get3A_277] {strides = array<i32>} : memref<640x16xf32, #tpu.memory_space<vmem>>, vector<1x16xf32>,
      %get3A_279 = vector.shape_cast %get3A_278 : vector<1x16xf32> to vector<16xf32>
      %swap3A_280 = arith.index_cast %add3A_275 : i32 to index
      %swap3A_281 = arith.constant 0 : index
      %swap3A_282 = tpu.vector_load %arg18[%swap3A_280, %swap3A_281] {strides = array<i32>} : memref<640x32xf32, #tpu.memory_space<vmem>>, vector<1x16xf32>,
      %swap3A_283 = vector.shape_cast %swap3A_282 : vector<1x16xf32> to vector<16xf32>
      %swap3A_284 = vector.shape_cast %get3A_279 : vector<16xf32> to vector<1x16xf32>
      tpu.vector_store %arg18[%swap3A_280, %swap3A_281], %swap3A_284 {strides = array<i32>} : memref<640x32xf32, #tpu.memory_space<vmem>>, vector<1x16xf32>,
      %slice3A_285 = vector.extract_strided_slice %get3A_84 {offsets = [8], sizes = [1], strides = [1]} : vector<16xf32> to vector<1xf32>
      %squeeze3A_286 = vector.extract %slice3A_285[0] : f32 from vector<1xf32>
      %jit3A_287 = arith.constant 0.000000e+00 : f32
      %broadcast_in_dim3A_288 = vector.broadcast %squeeze3A_286 : f32 to vector<16xf32>
      %broadcast_in_dim3A_289 = vector.broadcast %jit3A_287 : f32 to vector<16xf32>
      %select_n3A_290 = arith.select %eq3A_68, %broadcast_in_dim3A_288, %broadcast_in_dim3A_289 : vector<16xi1>, vector<16xf32>
      %swap3A_291 = arith.index_cast %add3A_275 : i32 to index
      %swap3A_292 = arith.constant 16 : index
      %swap3A_293 = tpu.vector_load %arg18[%swap3A_291, %swap3A_292] {strides = array<i32>} : memref<640x32xf32, #tpu.memory_space<vmem>>, vector<1x16xf32>,
      %swap3A_294 = vector.shape_cast %swap3A_293 : vector<1x16xf32> to vector<16xf32>
      %swap3A_295 = vector.shape_cast %select_n3A_290 : vector<16xf32> to vector<1x16xf32>
      tpu.vector_store %arg18[%swap3A_291, %swap3A_292], %swap3A_295 {strides = array<i32>} : memref<640x32xf32, #tpu.memory_space<vmem>>, vector<1x16xf32>,
      %mul3A_296 = arith.constant 16 : i32
      %mul3A_297 = arith.muli %scan3A_80, %mul3A_296 : i32
      %add3A_298 = arith.constant 9 : i32
      %add3A_299 = arith.addi %mul3A_297, %add3A_298 : i32
      %get3A_300 = arith.index_cast %add3A_299 : i32 to index
      %get3A_301 = arith.constant 0 : index
      %get3A_302 = tpu.vector_load %arg16[%get3A_300, %get3A_301] {strides = array<i32>} : memref<640x16xf32, #tpu.memory_space<vmem>>, vector<1x16xf32>,
      %get3A_303 = vector.shape_cast %get3A_302 : vector<1x16xf32> to vector<16xf32>
      %swap3A_304 = arith.index_cast %add3A_299 : i32 to index
      %swap3A_305 = arith.constant 0 : index
      %swap3A_306 = tpu.vector_load %arg18[%swap3A_304, %swap3A_305] {strides = array<i32>} : memref<640x32xf32, #tpu.memory_space<vmem>>, vector<1x16xf32>,
      %swap3A_307 = vector.shape_cast %swap3A_306 : vector<1x16xf32> to vector<16xf32>
      %swap3A_308 = vector.shape_cast %get3A_303 : vector<16xf32> to vector<1x16xf32>
      tpu.vector_store %arg18[%swap3A_304, %swap3A_305], %swap3A_308 {strides = array<i32>} : memref<640x32xf32, #tpu.memory_space<vmem>>, vector<1x16xf32>,
      %slice3A_309 = vector.extract_strided_slice %get3A_84 {offsets = [9], sizes = [1], strides = [1]} : vector<16xf32> to vector<1xf32>
      %squeeze3A_310 = vector.extract %slice3A_309[0] : f32 from vector<1xf32>
      %jit3A_311 = arith.constant 0.000000e+00 : f32
      %broadcast_in_dim3A_312 = vector.broadcast %squeeze3A_310 : f32 to vector<16xf32>
      %broadcast_in_dim3A_313 = vector.broadcast %jit3A_311 : f32 to vector<16xf32>
      %select_n3A_314 = arith.select %eq3A_68, %broadcast_in_dim3A_312, %broadcast_in_dim3A_313 : vector<16xi1>, vector<16xf32>
      %swap3A_315 = arith.index_cast %add3A_299 : i32 to index
      %swap3A_316 = arith.constant 16 : index
      %swap3A_317 = tpu.vector_load %arg18[%swap3A_315, %swap3A_316] {strides = array<i32>} : memref<640x32xf32, #tpu.memory_space<vmem>>, vector<1x16xf32>,
      %swap3A_318 = vector.shape_cast %swap3A_317 : vector<1x16xf32> to vector<16xf32>
      %swap3A_319 = vector.shape_cast %select_n3A_314 : vector<16xf32> to vector<1x16xf32>
      tpu.vector_store %arg18[%swap3A_315, %swap3A_316], %swap3A_319 {strides = array<i32>} : memref<640x32xf32, #tpu.memory_space<vmem>>, vector<1x16xf32>,
      %mul3A_320 = arith.constant 16 : i32
      %mul3A_321 = arith.muli %scan3A_80, %mul3A_320 : i32
      %add3A_322 = arith.constant 10 : i32
      %add3A_323 = arith.addi %mul3A_321, %add3A_322 : i32
      %get3A_324 = arith.index_cast %add3A_323 : i32 to index
      %get3A_325 = arith.constant 0 : index
      %get3A_326 = tpu.vector_load %arg16[%get3A_324, %get3A_325] {strides = array<i32>} : memref<640x16xf32, #tpu.memory_space<vmem>>, vector<1x16xf32>,
      %get3A_327 = vector.shape_cast %get3A_326 : vector<1x16xf32> to vector<16xf32>
      %swap3A_328 = arith.index_cast %add3A_323 : i32 to index
      %swap3A_329 = arith.constant 0 : index
      %swap3A_330 = tpu.vector_load %arg18[%swap3A_328, %swap3A_329] {strides = array<i32>} : memref<640x32xf32, #tpu.memory_space<vmem>>, vector<1x16xf32>,
      %swap3A_331 = vector.shape_cast %swap3A_330 : vector<1x16xf32> to vector<16xf32>
      %swap3A_332 = vector.shape_cast %get3A_327 : vector<16xf32> to vector<1x16xf32>
      tpu.vector_store %arg18[%swap3A_328, %swap3A_329], %swap3A_332 {strides = array<i32>} : memref<640x32xf32, #tpu.memory_space<vmem>>, vector<1x16xf32>,
      %slice3A_333 = vector.extract_strided_slice %get3A_84 {offsets = [10], sizes = [1], strides = [1]} : vector<16xf32> to vector<1xf32>
      %squeeze3A_334 = vector.extract %slice3A_333[0] : f32 from vector<1xf32>
      %jit3A_335 = arith.constant 0.000000e+00 : f32
      %broadcast_in_dim3A_336 = vector.broadcast %squeeze3A_334 : f32 to vector<16xf32>
      %broadcast_in_dim3A_337 = vector.broadcast %jit3A_335 : f32 to vector<16xf32>
      %select_n3A_338 = arith.select %eq3A_68, %broadcast_in_dim3A_336, %broadcast_in_dim3A_337 : vector<16xi1>, vector<16xf32>
      %swap3A_339 = arith.index_cast %add3A_323 : i32 to index
      %swap3A_340 = arith.constant 16 : index
      %swap3A_341 = tpu.vector_load %arg18[%swap3A_339, %swap3A_340] {strides = array<i32>} : memref<640x32xf32, #tpu.memory_space<vmem>>, vector<1x16xf32>,
      %swap3A_342 = vector.shape_cast %swap3A_341 : vector<1x16xf32> to vector<16xf32>
      %swap3A_343 = vector.shape_cast %select_n3A_338 : vector<16xf32> to vector<1x16xf32>
      tpu.vector_store %arg18[%swap3A_339, %swap3A_340], %swap3A_343 {strides = array<i32>} : memref<640x32xf32, #tpu.memory_space<vmem>>, vector<1x16xf32>,
      %mul3A_344 = arith.constant 16 : i32
      %mul3A_345 = arith.muli %scan3A_80, %mul3A_344 : i32
      %add3A_346 = arith.constant 11 : i32
      %add3A_347 = arith.addi %mul3A_345, %add3A_346 : i32
      %get3A_348 = arith.index_cast %add3A_347 : i32 to index
      %get3A_349 = arith.constant 0 : index
      %get3A_350 = tpu.vector_load %arg16[%get3A_348, %get3A_349] {strides = array<i32>} : memref<640x16xf32, #tpu.memory_space<vmem>>, vector<1x16xf32>,
      %get3A_351 = vector.shape_cast %get3A_350 : vector<1x16xf32> to vector<16xf32>
      %swap3A_352 = arith.index_cast %add3A_347 : i32 to index
      %swap3A_353 = arith.constant 0 : index
      %swap3A_354 = tpu.vector_load %arg18[%swap3A_352, %swap3A_353] {strides = array<i32>} : memref<640x32xf32, #tpu.memory_space<vmem>>, vector<1x16xf32>,
      %swap3A_355 = vector.shape_cast %swap3A_354 : vector<1x16xf32> to vector<16xf32>
      %swap3A_356 = vector.shape_cast %get3A_351 : vector<16xf32> to vector<1x16xf32>
      tpu.vector_store %arg18[%swap3A_352, %swap3A_353], %swap3A_356 {strides = array<i32>} : memref<640x32xf32, #tpu.memory_space<vmem>>, vector<1x16xf32>,
      %slice3A_357 = vector.extract_strided_slice %get3A_84 {offsets = [11], sizes = [1], strides = [1]} : vector<16xf32> to vector<1xf32>
      %squeeze3A_358 = vector.extract %slice3A_357[0] : f32 from vector<1xf32>
      %jit3A_359 = arith.constant 0.000000e+00 : f32
      %broadcast_in_dim3A_360 = vector.broadcast %squeeze3A_358 : f32 to vector<16xf32>
      %broadcast_in_dim3A_361 = vector.broadcast %jit3A_359 : f32 to vector<16xf32>
      %select_n3A_362 = arith.select %eq3A_68, %broadcast_in_dim3A_360, %broadcast_in_dim3A_361 : vector<16xi1>, vector<16xf32>
      %swap3A_363 = arith.index_cast %add3A_347 : i32 to index
      %swap3A_364 = arith.constant 16 : index
      %swap3A_365 = tpu.vector_load %arg18[%swap3A_363, %swap3A_364] {strides = array<i32>} : memref<640x32xf32, #tpu.memory_space<vmem>>, vector<1x16xf32>,
      %swap3A_366 = vector.shape_cast %swap3A_365 : vector<1x16xf32> to vector<16xf32>
      %swap3A_367 = vector.shape_cast %select_n3A_362 : vector<16xf32> to vector<1x16xf32>
      tpu.vector_store %arg18[%swap3A_363, %swap3A_364], %swap3A_367 {strides = array<i32>} : memref<640x32xf32, #tpu.memory_space<vmem>>, vector<1x16xf32>,
      %mul3A_368 = arith.constant 16 : i32
      %mul3A_369 = arith.muli %scan3A_80, %mul3A_368 : i32
      %add3A_370 = arith.constant 12 : i32
      %add3A_371 = arith.addi %mul3A_369, %add3A_370 : i32
      %get3A_372 = arith.index_cast %add3A_371 : i32 to index
      %get3A_373 = arith.constant 0 : index
      %get3A_374 = tpu.vector_load %arg16[%get3A_372, %get3A_373] {strides = array<i32>} : memref<640x16xf32, #tpu.memory_space<vmem>>, vector<1x16xf32>,
      %get3A_375 = vector.shape_cast %get3A_374 : vector<1x16xf32> to vector<16xf32>
      %swap3A_376 = arith.index_cast %add3A_371 : i32 to index
      %swap3A_377 = arith.constant 0 : index
      %swap3A_378 = tpu.vector_load %arg18[%swap3A_376, %swap3A_377] {strides = array<i32>} : memref<640x32xf32, #tpu.memory_space<vmem>>, vector<1x16xf32>,
      %swap3A_379 = vector.shape_cast %swap3A_378 : vector<1x16xf32> to vector<16xf32>
      %swap3A_380 = vector.shape_cast %get3A_375 : vector<16xf32> to vector<1x16xf32>
      tpu.vector_store %arg18[%swap3A_376, %swap3A_377], %swap3A_380 {strides = array<i32>} : memref<640x32xf32, #tpu.memory_space<vmem>>, vector<1x16xf32>,
      %slice3A_381 = vector.extract_strided_slice %get3A_84 {offsets = [12], sizes = [1], strides = [1]} : vector<16xf32> to vector<1xf32>
      %squeeze3A_382 = vector.extract %slice3A_381[0] : f32 from vector<1xf32>
      %jit3A_383 = arith.constant 0.000000e+00 : f32
      %broadcast_in_dim3A_384 = vector.broadcast %squeeze3A_382 : f32 to vector<16xf32>
      %broadcast_in_dim3A_385 = vector.broadcast %jit3A_383 : f32 to vector<16xf32>
      %select_n3A_386 = arith.select %eq3A_68, %broadcast_in_dim3A_384, %broadcast_in_dim3A_385 : vector<16xi1>, vector<16xf32>
      %swap3A_387 = arith.index_cast %add3A_371 : i32 to index
      %swap3A_388 = arith.constant 16 : index
      %swap3A_389 = tpu.vector_load %arg18[%swap3A_387, %swap3A_388] {strides = array<i32>} : memref<640x32xf32, #tpu.memory_space<vmem>>, vector<1x16xf32>,
      %swap3A_390 = vector.shape_cast %swap3A_389 : vector<1x16xf32> to vector<16xf32>
      %swap3A_391 = vector.shape_cast %select_n3A_386 : vector<16xf32> to vector<1x16xf32>
      tpu.vector_store %arg18[%swap3A_387, %swap3A_388], %swap3A_391 {strides = array<i32>} : memref<640x32xf32, #tpu.memory_space<vmem>>, vector<1x16xf32>,
      %mul3A_392 = arith.constant 16 : i32
      %mul3A_393 = arith.muli %scan3A_80, %mul3A_392 : i32
      %add3A_394 = arith.constant 13 : i32
      %add3A_395 = arith.addi %mul3A_393, %add3A_394 : i32
      %get3A_396 = arith.index_cast %add3A_395 : i32 to index
      %get3A_397 = arith.constant 0 : index
      %get3A_398 = tpu.vector_load %arg16[%get3A_396, %get3A_397] {strides = array<i32>} : memref<640x16xf32, #tpu.memory_space<vmem>>, vector<1x16xf32>,
      %get3A_399 = vector.shape_cast %get3A_398 : vector<1x16xf32> to vector<16xf32>
      %swap3A_400 = arith.index_cast %add3A_395 : i32 to index
      %swap3A_401 = arith.constant 0 : index
      %swap3A_402 = tpu.vector_load %arg18[%swap3A_400, %swap3A_401] {strides = array<i32>} : memref<640x32xf32, #tpu.memory_space<vmem>>, vector<1x16xf32>,
      %swap3A_403 = vector.shape_cast %swap3A_402 : vector<1x16xf32> to vector<16xf32>
      %swap3A_404 = vector.shape_cast %get3A_399 : vector<16xf32> to vector<1x16xf32>
      tpu.vector_store %arg18[%swap3A_400, %swap3A_401], %swap3A_404 {strides = array<i32>} : memref<640x32xf32, #tpu.memory_space<vmem>>, vector<1x16xf32>,
      %slice3A_405 = vector.extract_strided_slice %get3A_84 {offsets = [13], sizes = [1], strides = [1]} : vector<16xf32> to vector<1xf32>
      %squeeze3A_406 = vector.extract %slice3A_405[0] : f32 from vector<1xf32>
      %jit3A_407 = arith.constant 0.000000e+00 : f32
      %broadcast_in_dim3A_408 = vector.broadcast %squeeze3A_406 : f32 to vector<16xf32>
      %broadcast_in_dim3A_409 = vector.broadcast %jit3A_407 : f32 to vector<16xf32>
      %select_n3A_410 = arith.select %eq3A_68, %broadcast_in_dim3A_408, %broadcast_in_dim3A_409 : vector<16xi1>, vector<16xf32>
      %swap3A_411 = arith.index_cast %add3A_395 : i32 to index
      %swap3A_412 = arith.constant 16 : index
      %swap3A_413 = tpu.vector_load %arg18[%swap3A_411, %swap3A_412] {strides = array<i32>} : memref<640x32xf32, #tpu.memory_space<vmem>>, vector<1x16xf32>,
      %swap3A_414 = vector.shape_cast %swap3A_413 : vector<1x16xf32> to vector<16xf32>
      %swap3A_415 = vector.shape_cast %select_n3A_410 : vector<16xf32> to vector<1x16xf32>
      tpu.vector_store %arg18[%swap3A_411, %swap3A_412], %swap3A_415 {strides = array<i32>} : memref<640x32xf32, #tpu.memory_space<vmem>>, vector<1x16xf32>,
      %mul3A_416 = arith.constant 16 : i32
      %mul3A_417 = arith.muli %scan3A_80, %mul3A_416 : i32
      %add3A_418 = arith.constant 14 : i32
      %add3A_419 = arith.addi %mul3A_417, %add3A_418 : i32
      %get3A_420 = arith.index_cast %add3A_419 : i32 to index
      %get3A_421 = arith.constant 0 : index
      %get3A_422 = tpu.vector_load %arg16[%get3A_420, %get3A_421] {strides = array<i32>} : memref<640x16xf32, #tpu.memory_space<vmem>>, vector<1x16xf32>,
      %get3A_423 = vector.shape_cast %get3A_422 : vector<1x16xf32> to vector<16xf32>
      %swap3A_424 = arith.index_cast %add3A_419 : i32 to index
      %swap3A_425 = arith.constant 0 : index
      %swap3A_426 = tpu.vector_load %arg18[%swap3A_424, %swap3A_425] {strides = array<i32>} : memref<640x32xf32, #tpu.memory_space<vmem>>, vector<1x16xf32>,
      %swap3A_427 = vector.shape_cast %swap3A_426 : vector<1x16xf32> to vector<16xf32>
      %swap3A_428 = vector.shape_cast %get3A_423 : vector<16xf32> to vector<1x16xf32>
      tpu.vector_store %arg18[%swap3A_424, %swap3A_425], %swap3A_428 {strides = array<i32>} : memref<640x32xf32, #tpu.memory_space<vmem>>, vector<1x16xf32>,
      %slice3A_429 = vector.extract_strided_slice %get3A_84 {offsets = [14], sizes = [1], strides = [1]} : vector<16xf32> to vector<1xf32>
      %squeeze3A_430 = vector.extract %slice3A_429[0] : f32 from vector<1xf32>
      %jit3A_431 = arith.constant 0.000000e+00 : f32
      %broadcast_in_dim3A_432 = vector.broadcast %squeeze3A_430 : f32 to vector<16xf32>
      %broadcast_in_dim3A_433 = vector.broadcast %jit3A_431 : f32 to vector<16xf32>
      %select_n3A_434 = arith.select %eq3A_68, %broadcast_in_dim3A_432, %broadcast_in_dim3A_433 : vector<16xi1>, vector<16xf32>
      %swap3A_435 = arith.index_cast %add3A_419 : i32 to index
      %swap3A_436 = arith.constant 16 : index
      %swap3A_437 = tpu.vector_load %arg18[%swap3A_435, %swap3A_436] {strides = array<i32>} : memref<640x32xf32, #tpu.memory_space<vmem>>, vector<1x16xf32>,
      %swap3A_438 = vector.shape_cast %swap3A_437 : vector<1x16xf32> to vector<16xf32>
      %swap3A_439 = vector.shape_cast %select_n3A_434 : vector<16xf32> to vector<1x16xf32>
      tpu.vector_store %arg18[%swap3A_435, %swap3A_436], %swap3A_439 {strides = array<i32>} : memref<640x32xf32, #tpu.memory_space<vmem>>, vector<1x16xf32>,
      %mul3A_440 = arith.constant 16 : i32
      %mul3A_441 = arith.muli %scan3A_80, %mul3A_440 : i32
      %add3A_442 = arith.constant 15 : i32
      %add3A_443 = arith.addi %mul3A_441, %add3A_442 : i32
      %get3A_444 = arith.index_cast %add3A_443 : i32 to index
      %get3A_445 = arith.constant 0 : index
      %get3A_446 = tpu.vector_load %arg16[%get3A_444, %get3A_445] {strides = array<i32>} : memref<640x16xf32, #tpu.memory_space<vmem>>, vector<1x16xf32>,
      %get3A_447 = vector.shape_cast %get3A_446 : vector<1x16xf32> to vector<16xf32>
      %swap3A_448 = arith.index_cast %add3A_443 : i32 to index
      %swap3A_449 = arith.constant 0 : index
      %swap3A_450 = tpu.vector_load %arg18[%swap3A_448, %swap3A_449] {strides = array<i32>} : memref<640x32xf32, #tpu.memory_space<vmem>>, vector<1x16xf32>,
      %swap3A_451 = vector.shape_cast %swap3A_450 : vector<1x16xf32> to vector<16xf32>
      %swap3A_452 = vector.shape_cast %get3A_447 : vector<16xf32> to vector<1x16xf32>
      tpu.vector_store %arg18[%swap3A_448, %swap3A_449], %swap3A_452 {strides = array<i32>} : memref<640x32xf32, #tpu.memory_space<vmem>>, vector<1x16xf32>,
      %slice3A_453 = vector.extract_strided_slice %get3A_84 {offsets = [15], sizes = [1], strides = [1]} : vector<16xf32> to vector<1xf32>
      %squeeze3A_454 = vector.extract %slice3A_453[0] : f32 from vector<1xf32>
      %jit3A_455 = arith.constant 0.000000e+00 : f32
      %broadcast_in_dim3A_456 = vector.broadcast %squeeze3A_454 : f32 to vector<16xf32>
      %broadcast_in_dim3A_457 = vector.broadcast %jit3A_455 : f32 to vector<16xf32>
      %select_n3A_458 = arith.select %eq3A_68, %broadcast_in_dim3A_456, %broadcast_in_dim3A_457 : vector<16xi1>, vector<16xf32>
      %swap3A_459 = arith.index_cast %add3A_443 : i32 to index
      %swap3A_460 = arith.constant 16 : index
      %swap3A_461 = tpu.vector_load %arg18[%swap3A_459, %swap3A_460] {strides = array<i32>} : memref<640x32xf32, #tpu.memory_space<vmem>>, vector<1x16xf32>,
      %swap3A_462 = vector.shape_cast %swap3A_461 : vector<1x16xf32> to vector<16xf32>
      %swap3A_463 = vector.shape_cast %select_n3A_458 : vector<16xf32> to vector<1x16xf32>
      tpu.vector_store %arg18[%swap3A_459, %swap3A_460], %swap3A_463 {strides = array<i32>} : memref<640x32xf32, #tpu.memory_space<vmem>>, vector<1x16xf32>,
    }
    %scan3A_74 = arith.constant 40 : i32
    %mul3A_75 = arith.constant 10240 : i32
    %mul3A_76 = arith.muli %arg0, %mul3A_75 : i32
    %mul3A_77 = arith.constant 640 : i32
    %mul3A_78 = arith.muli %arg1, %mul3A_77 : i32
    %add3A_79 = arith.addi %mul3A_76, %mul3A_78 : i32
    "tpu.region"() ({
      %run_scoped3A = tpu.sem_alloc : memref<!tpu.dma_semaphore, #tpu.memory_space<semaphore_mem>>
      %dma_start3A_80 = arith.constant 0 : i32
      %dma_start3A_81 = tpu.memref_slice %arg6[%add3A_79, %dma_start3A_80] : memref<20480x32xf32, #tpu.memory_space<hbm>> -> memref<640x32xf32, #tpu.memory_space<hbm>>
      %dma_start3A_82 = arith.constant 0 : i32
      %dma_start3A_83 = tpu.memref_slice %arg6[%add3A_79, %dma_start3A_82] : memref<20480x32xf32, #tpu.memory_space<hbm>> -> memref<640x32xf32, #tpu.memory_space<hbm>>
      tpu.enqueue_dma source(%arg18 : memref<640x32xf32, #tpu.memory_space<vmem>>) target(%dma_start3A_83 : memref<640x32xf32, #tpu.memory_space<hbm>>) target_semaphore(%run_scoped3A : memref<!tpu.dma_semaphore, #tpu.memory_space<semaphore_mem>>)
      %dma_wait3A_84 = arith.constant 0 : i32
      %dma_wait3A_85 = tpu.memref_slice %arg6[%add3A_79, %dma_wait3A_84] : memref<20480x32xf32, #tpu.memory_space<hbm>> -> memref<640x32xf32, #tpu.memory_space<hbm>>
      %dma_wait3A_86 = arith.constant 0 : i32
      %dma_wait3A_87 = tpu.memref_slice %arg6[%add3A_79, %dma_wait3A_86] : memref<20480x32xf32, #tpu.memory_space<hbm>> -> memref<640x32xf32, #tpu.memory_space<hbm>>
      tpu.wait_dma2 semaphore(%run_scoped3A : memref<!tpu.dma_semaphore, #tpu.memory_space<semaphore_mem>>) src(%arg18 : memref<640x32xf32, #tpu.memory_space<vmem>>) dst(%dma_wait3A_87 : memref<640x32xf32, #tpu.memory_space<hbm>>)
      tpu.yield
    }) : () -> ()
    return
  }
}

module attributes {stable_mosaic.version = 14 : i64} {
  func.func @_stage_a_body(%arg0: i32, %arg1: memref<2048x128xf32, #tpu.memory_space<vmem>>, %arg2: memref<128x128xf32, #tpu.memory_space<vmem>>, %arg3: memref<1x128xf32, #tpu.memory_space<vmem>>, %arg4: memref<10000x128xf32, #tpu.memory_space<vmem>>, %arg5: memref<128x16xf32, #tpu.memory_space<vmem>>, %arg6: memref<2048x128xf32, #tpu.memory_space<vmem>>, %arg7: memref<10000x16xf32, #tpu.memory_space<vmem>>) attributes {dimension_semantics = [#tpu.dimension_semantics<arbitrary>], iteration_bounds = array<i64: 21>, scalar_prefetch = 0 : i64, scratch_operands = 0 : i64, tpu.core_type = #tpu.core_type<tc>, window_params = [{transform_indices = @transform_0, window_bounds = array<i64: 2048, 128>}, {pipeline_mode = #tpu.pipeline_mode<synchronous>, transform_indices = @transform_1, window_bounds = array<i64: 128, 128>}, {pipeline_mode = #tpu.pipeline_mode<synchronous>, transform_indices = @transform_2, window_bounds = array<i64: 1, 128>}, {pipeline_mode = #tpu.pipeline_mode<synchronous>, transform_indices = @transform_3, window_bounds = array<i64: 10000, 128>}, {pipeline_mode = #tpu.pipeline_mode<synchronous>, transform_indices = @transform_4, window_bounds = array<i64: 128, 16>}, {transform_indices = @transform_5, window_bounds = array<i64: 2048, 128>}, {pipeline_mode = #tpu.pipeline_mode<synchronous>, transform_indices = @transform_6, window_bounds = array<i64: 10000, 16>}]} {
    %lt3A = arith.constant 20 : i32
    %lt3A_0 = arith.cmpi slt, %arg0, %lt3A : i32
    %convert_element_type3A = arith.extui %lt3A_0 : i1 to i32
    %cond3A = arith.constant 0 : i32
    %cond3A_1 = arith.cmpi ne, %convert_element_type3A, %cond3A : i32
    scf.if %cond3A_1 {
      %get3A = arith.constant 0 : index
      %get3A_6 = arith.constant 0 : index
      %get3A_7 = vector.load %arg1[%get3A, %get3A_6] : memref<2048x128xf32, #tpu.memory_space<vmem>>, vector<2048x128xf32>
      %get3A_8 = arith.constant 0 : index
      %get3A_9 = arith.constant 0 : index
      %get3A_10 = vector.load %arg2[%get3A_8, %get3A_9] : memref<128x128xf32, #tpu.memory_space<vmem>>, vector<128x128xf32>
      %dot_general3A = arith.constant dense<0.000000e+00> : vector<2048x128xf32>
      %dot_general3A_11 = tpu.matmul %get3A_7, %get3A_10, %dot_general3A {dimension_numbers = #tpu.dot_dimension_numbers<[1], [0], [0], [1], [0, 0, 1, 1], [], []>, transpose_lhs_hint = false} : vector<2048x128xf32>, vector<128x128xf32>, vector<2048x128xf32> -> vector<2048x128xf32>
      %get3A_12 = arith.constant 0 : index
      %get3A_13 = arith.constant 0 : index
      %get3A_14 = vector.load %arg3[%get3A_12, %get3A_13] : memref<1x128xf32, #tpu.memory_space<vmem>>, vector<1x128xf32>
      %add3A = vector.broadcast %get3A_14 : vector<1x128xf32> to vector<2048x128xf32>
      %add3A_15 = arith.addf %dot_general3A_11, %add3A : vector<2048x128xf32>
      %swap3A = arith.constant 0 : index
      %swap3A_16 = arith.constant 0 : index
      %swap3A_17 = vector.load %arg6[%swap3A, %swap3A_16] : memref<2048x128xf32, #tpu.memory_space<vmem>>, vector<2048x128xf32>
      tpu.vector_store %arg6[%swap3A, %swap3A_16], %add3A_15 {strides = array<i32>} : memref<2048x128xf32, #tpu.memory_space<vmem>>, vector<2048x128xf32>,
    } else {
    }
    %eq3A = arith.constant 20 : i32
    %eq3A_2 = arith.cmpi eq, %arg0, %eq3A : i32
    %convert_element_type3A_3 = arith.extui %eq3A_2 : i1 to i32
    %cond3A_4 = arith.constant 0 : i32
    %cond3A_5 = arith.cmpi ne, %convert_element_type3A_3, %cond3A_4 : i32
    scf.if %cond3A_5 {
      %get3A = arith.constant 0 : index
      %get3A_6 = arith.constant 0 : index
      %get3A_7 = vector.load %arg4[%get3A, %get3A_6] : memref<10000x128xf32, #tpu.memory_space<vmem>>, vector<10000x128xf32>
      %get3A_8 = arith.constant 0 : index
      %get3A_9 = arith.constant 0 : index
      %get3A_10 = vector.load %arg5[%get3A_8, %get3A_9] : memref<128x16xf32, #tpu.memory_space<vmem>>, vector<128x16xf32>
      %dot_general3A = arith.constant dense<0.000000e+00> : vector<10000x16xf32>
      %dot_general3A_11 = tpu.matmul %get3A_7, %get3A_10, %dot_general3A {dimension_numbers = #tpu.dot_dimension_numbers<[1], [0], [0], [1], [0, 0, 1, 1], [], []>, transpose_lhs_hint = false} : vector<10000x128xf32>, vector<128x16xf32>, vector<10000x16xf32> -> vector<10000x16xf32>
      %swap3A = arith.constant 0 : index
      %swap3A_12 = arith.constant 0 : index
      %swap3A_13 = vector.load %arg7[%swap3A, %swap3A_12] : memref<10000x16xf32, #tpu.memory_space<vmem>>, vector<10000x16xf32>
      tpu.vector_store %arg7[%swap3A, %swap3A_12], %dot_general3A_11 {strides = array<i32>} : memref<10000x16xf32, #tpu.memory_space<vmem>>, vector<10000x16xf32>,
    } else {
    }
    return
  }
  func.func @transform_0(%arg0: i32) -> (i32, i32) {
    %min3A = arith.constant 19 : i32
    %min3A_0 = arith.minsi %arg0, %min3A : i32
    %c0_i32 = arith.constant 0 : i32
    %c0_i32_1 = arith.constant 0 : i32
    return %min3A_0, %c0_i32 : i32, i32
  }
  func.func @transform_1(%arg0: i32) -> (i32, i32) {
    %c0_i32 = arith.constant 0 : i32
    %c0_i32_0 = arith.constant 0 : i32
    %c0_i32_1 = arith.constant 0 : i32
    return %c0_i32, %c0_i32_0 : i32, i32
  }
  func.func @transform_2(%arg0: i32) -> (i32, i32) {
    %c0_i32 = arith.constant 0 : i32
    %c0_i32_0 = arith.constant 0 : i32
    %c0_i32_1 = arith.constant 0 : i32
    return %c0_i32, %c0_i32_0 : i32, i32
  }
  func.func @transform_3(%arg0: i32) -> (i32, i32) {
    %c0_i32 = arith.constant 0 : i32
    %c0_i32_0 = arith.constant 0 : i32
    %c0_i32_1 = arith.constant 0 : i32
    return %c0_i32, %c0_i32_0 : i32, i32
  }
  func.func @transform_4(%arg0: i32) -> (i32, i32) {
    %c0_i32 = arith.constant 0 : i32
    %c0_i32_0 = arith.constant 0 : i32
    %c0_i32_1 = arith.constant 0 : i32
    return %c0_i32, %c0_i32_0 : i32, i32
  }
  func.func @transform_5(%arg0: i32) -> (i32, i32) {
    %min3A = arith.constant 19 : i32
    %min3A_0 = arith.minsi %arg0, %min3A : i32
    %c0_i32 = arith.constant 0 : i32
    %c0_i32_1 = arith.constant 0 : i32
    return %min3A_0, %c0_i32 : i32, i32
  }
  func.func @transform_6(%arg0: i32) -> (i32, i32) {
    %c0_i32 = arith.constant 0 : i32
    %c0_i32_0 = arith.constant 0 : i32
    %c0_i32_1 = arith.constant 0 : i32
    return %c0_i32, %c0_i32_0 : i32, i32
  }
}

module attributes {stable_mosaic.version = 14 : i64} {
  func.func @_node_body(%arg0: i32, %arg1: memref<1024x128xf32, #tpu.memory_space<vmem>>, %arg2: memref<2x1024x32xf32, #tpu.memory_space<vmem>>, %arg3: memref<144x16xf32, #tpu.memory_space<vmem>>, %arg4: memref<1x16xf32, #tpu.memory_space<vmem>>, %arg5: memref<1024x16xf32, #tpu.memory_space<vmem>>) attributes {dimension_semantics = [#tpu.dimension_semantics<arbitrary>], iteration_bounds = array<i64: 10>, scalar_prefetch = 0 : i64, scratch_operands = 0 : i64, tpu.core_type = #tpu.core_type<tc>, window_params = [{transform_indices = @transform_0, window_bounds = array<i64: 1024, 128>}, {transform_indices = @transform_1, window_bounds = array<i64: 2, 1024, 32>}, {pipeline_mode = #tpu.pipeline_mode<synchronous>, transform_indices = @transform_2, window_bounds = array<i64: 144, 16>}, {pipeline_mode = #tpu.pipeline_mode<synchronous>, transform_indices = @transform_3, window_bounds = array<i64: 1, 16>}, {transform_indices = @transform_4, window_bounds = array<i64: 1024, 16>}]} {
    %get3A = arith.constant 0 : index
    %get3A_0 = arith.constant 0 : index
    %get3A_1 = arith.constant 0 : index
    %get3A_2 = vector.load %arg2[%get3A, %get3A_0, %get3A_1] : memref<2x1024x32xf32, #tpu.memory_space<vmem>>, vector<1x1024x32xf32>
    %get3A_3 = vector.shape_cast %get3A_2 : vector<1x1024x32xf32> to vector<1024x32xf32>
    %get3A_4 = arith.constant 1 : index
    %get3A_5 = arith.constant 0 : index
    %get3A_6 = arith.constant 0 : index
    %get3A_7 = vector.load %arg2[%get3A_4, %get3A_5, %get3A_6] : memref<2x1024x32xf32, #tpu.memory_space<vmem>>, vector<1x1024x32xf32>
    %get3A_8 = vector.shape_cast %get3A_7 : vector<1x1024x32xf32> to vector<1024x32xf32>
    %slice3A = vector.extract_strided_slice %get3A_3 {offsets = [0, 0], sizes = [1024, 16], strides = [1, 1]} : vector<1024x32xf32> to vector<1024x16xf32>
    %slice3A_9 = vector.extract_strided_slice %get3A_8 {offsets = [0, 0], sizes = [1024, 16], strides = [1, 1]} : vector<1024x32xf32> to vector<1024x16xf32>
    %add3A = arith.addf %slice3A, %slice3A_9 : vector<1024x16xf32>
    %slice3A_10 = vector.extract_strided_slice %get3A_3 {offsets = [0, 16], sizes = [1024, 1], strides = [1, 1]} : vector<1024x32xf32> to vector<1024x1xf32>
    %slice3A_11 = vector.extract_strided_slice %get3A_8 {offsets = [0, 16], sizes = [1024, 1], strides = [1, 1]} : vector<1024x32xf32> to vector<1024x1xf32>
    %add3A_12 = arith.addf %slice3A_10, %slice3A_11 : vector<1024x1xf32>
    %max3A = arith.constant 1.000000e+00 : f32
    %max3A_13 = vector.broadcast %max3A : f32 to vector<1024x1xf32>
    %max3A_14 = arith.maximumf %add3A_12, %max3A_13 : vector<1024x1xf32>
    %div3A = vector.broadcast %max3A_14 : vector<1024x1xf32> to vector<1024x16xf32>
    %div3A_15 = arith.divf %add3A, %div3A : vector<1024x16xf32>
    %get3A_16 = arith.constant 0 : index
    %get3A_17 = arith.constant 0 : index
    %get3A_18 = vector.load %arg1[%get3A_16, %get3A_17] : memref<1024x128xf32, #tpu.memory_space<vmem>>, vector<1024x128xf32>
    %get3A_19 = arith.constant 0 : index
    %get3A_20 = arith.constant 0 : index
    %get3A_21 = vector.load %arg3[%get3A_19, %get3A_20] : memref<144x16xf32, #tpu.memory_space<vmem>>, vector<128x16xf32>
    %dot_general3A = arith.constant dense<0.000000e+00> : vector<1024x16xf32>
    %dot_general3A_22 = tpu.matmul %get3A_18, %get3A_21, %dot_general3A {dimension_numbers = #tpu.dot_dimension_numbers<[1], [0], [0], [1], [0, 0, 1, 1], [], []>, transpose_lhs_hint = false} : vector<1024x128xf32>, vector<128x16xf32>, vector<1024x16xf32> -> vector<1024x16xf32>
    %get3A_23 = arith.constant 128 : index
    %get3A_24 = arith.constant 0 : index
    %get3A_25 = vector.load %arg3[%get3A_23, %get3A_24] : memref<144x16xf32, #tpu.memory_space<vmem>>, vector<16x16xf32>
    %dot_general3A_26 = arith.constant dense<0.000000e+00> : vector<1024x16xf32>
    %dot_general3A_27 = tpu.matmul %div3A_15, %get3A_25, %dot_general3A_26 {dimension_numbers = #tpu.dot_dimension_numbers<[1], [0], [0], [1], [0, 0, 1, 1], [], []>, transpose_lhs_hint = false} : vector<1024x16xf32>, vector<16x16xf32>, vector<1024x16xf32> -> vector<1024x16xf32>
    %add3A_28 = arith.addf %dot_general3A_22, %dot_general3A_27 : vector<1024x16xf32>
    %get3A_29 = arith.constant 0 : index
    %get3A_30 = arith.constant 0 : index
    %get3A_31 = vector.load %arg4[%get3A_29, %get3A_30] : memref<1x16xf32, #tpu.memory_space<vmem>>, vector<1x16xf32>
    %add3A_32 = vector.broadcast %get3A_31 : vector<1x16xf32> to vector<1024x16xf32>
    %add3A_33 = arith.addf %add3A_28, %add3A_32 : vector<1024x16xf32>
    %max3A_34 = arith.constant 0.000000e+00 : f32
    %max3A_35 = vector.broadcast %max3A_34 : f32 to vector<1024x16xf32>
    %max3A_36 = arith.maximumf %add3A_33, %max3A_35 : vector<1024x16xf32>
    %swap3A = arith.constant 0 : index
    %swap3A_37 = arith.constant 0 : index
    %swap3A_38 = vector.load %arg5[%swap3A, %swap3A_37] : memref<1024x16xf32, #tpu.memory_space<vmem>>, vector<1024x16xf32>
    tpu.vector_store %arg5[%swap3A, %swap3A_37], %max3A_36 {strides = array<i32>} : memref<1024x16xf32, #tpu.memory_space<vmem>>, vector<1024x16xf32>,
    return
  }
  func.func @transform_0(%arg0: i32) -> (i32, i32) {
    %c0_i32 = arith.constant 0 : i32
    %c0_i32_0 = arith.constant 0 : i32
    return %arg0, %c0_i32 : i32, i32
  }
  func.func @transform_1(%arg0: i32) -> (i32, i32, i32) {
    %c0_i32 = arith.constant 0 : i32
    %c0_i32_0 = arith.constant 0 : i32
    %c0_i32_1 = arith.constant 0 : i32
    return %c0_i32, %arg0, %c0_i32_0 : i32, i32, i32
  }
  func.func @transform_2(%arg0: i32) -> (i32, i32) {
    %c0_i32 = arith.constant 0 : i32
    %c0_i32_0 = arith.constant 0 : i32
    %c0_i32_1 = arith.constant 0 : i32
    return %c0_i32, %c0_i32_0 : i32, i32
  }
  func.func @transform_3(%arg0: i32) -> (i32, i32) {
    %c0_i32 = arith.constant 0 : i32
    %c0_i32_0 = arith.constant 0 : i32
    %c0_i32_1 = arith.constant 0 : i32
    return %c0_i32, %c0_i32_0 : i32, i32
  }
  func.func @transform_4(%arg0: i32) -> (i32, i32) {
    %c0_i32 = arith.constant 0 : i32
    %c0_i32_0 = arith.constant 0 : i32
    return %arg0, %c0_i32 : i32, i32
  }
}

</mosaic_0001>

<sc_bundles>
// kernel: kernel.5.cloned.1.call-start
scs
__scs_entry_jumppad:
0x0: {  	(pc) =	sbr.rel $0x88, $3  }
0x1: {  	(tag) =	ssettag $0x0;
	lr =	simm.s32 $0x1  }
0x2: {  	[smem:$0x3F9A] =	sst lr;
	_ =	strace $0xD0000000  }
0x3: {  	_ = 	snop  }
0x4: {  	_ = 	snop  }
0x5: {  	_ = 	snop  }
0x6: {  	_ = 	snop  }
0x7: {  	_ = 	snop  }
__scs_overlays_trampoline_lowered:
0x8: {  	[smem:$0x3FA9] =	sst s0  }
0x9: {  	[smem:$0x3FAA] =	sst s1  }
0xa: {  	[smem:$0x3FAB] =	sst s2  }
0xb: {  	[smem:$0x3FAC] =	sst s3  }
0xc: {  	[smem:$0x3FAD] =	sst s4  }
0xd: {  	[smem:$0x3FAE] =	sst s5  }
0xe: {  	[smem:$0x3FAF] =	sst s6  }
0xf: {  	[smem:$0x3FB0] =	sst s7  }
0x10: {  	[smem:$0x3FB1] =	sst s8  }
0x11: {  	[smem:$0x3FB2] =	sst s9;
	s0 =	simm.s32 @!p0 $0x0  }
0x12: {  	s1 =	sld [smem:$0x3F98];
	s0 =	simm.s32 @p0 $0x1  }
0x13: {  	[smem:$0x3FB3] =	sst s0;
	s0 =	simm.s32 @!p1 $0x0  }
0x14: {  	s2 =	sld [smem:$0x3F97];
	s0 =	simm.s32 @p1 $0x1  }
0x15: {  	[smem:$0x3FB4] =	sst s0;
	s0 =	simm.s32 @!p2 $0x0  }
0x16: {  	s3 =	sld [smem:$0x3FDB];
	s0 =	simm.s32 @p2 $0x1  }
0x17: {  	s4 =	simm.s32 $0x1BF5;
	[smem:$0x3FB6] =	sst s0  }
0x18: {  	s0 =	sld [smem:$0x3F99];
	_ =	swait.ge [sflag:s4], $0x0  }
0x19: {  	s7 =	sld [smem:$0x3F9A]  }
0x1a: {  	s8 =	sadd.s32 $0xFFFFE003, lr  }
0x1b: {  	s9 =	sadd.s32 $0xFFFFFEF7, lr;
	s5 =	simm.s32 $0xFFFFFFFF;
	p2 =	slt.u32 s8, $0xFFFFF086  }
0x1c: {  	p1 =	slt.u32 s9, $0xF7A;
	s5 =	simm.s32 @!p2 $0x0  }
0x1d: {  	s5 =	simm.s32 @p1 $0x1;
	p0 =	seq.s32 s7, s2  }
0x1e: {  	s7 =	smul.u32 @!p0 $0xF7A, s2;
	p2 =	seq.s32 @!p0 s5, $0x0  }
0x1f: {  	s9 =	smul.u32 $0xF7A, s1;
	s8 =	simm.s32 @!p0 $0x1BF5;
	p2 =	por !p2, p0  }
0x20: {  	[sflag:s8] =	ssyncset.s32 @!p0 $0xFFFFF086;
	s6 =	sadd.s32 @!p0 s3, s7;
	s7 =	simm.s32 @!p0 $0x108  }
0x21: {  	s3 =	sadd.s32 s3, s9;
	s6 =	sadd.s32 @!p0 $0x88, s6;
	s7 =	simm.s32 @p2 $0x1082  }
0x22: {  	[simem:s7], [sflag:s8] =	dma.local @!p0 [hbm:s6], $0xF7A  }
0x23: {  	s9 =	sor.u32 $0xD0000000, s2;
	s6 =	simm.s32 $0x108;
	_ =	swait.ge @!p0 [sflag:s8], $0x0  }
0x24: {  	s3 =	sadd.s32 $0x88, s3;
	s6 =	simm.s32 @!p1 $0x1082;
	[sflag:s4] =	ssyncset.s32 $0xFFFFF086  }
0x25: {  	[simem:s6], [sflag:s4] =	dma.local [hbm:s3], $0xF7A  }
0x26: {  	[smem:$0x3F9A] =	sst s1;
	(tag) =	ssettag s2;
	_ =	strace s9  }
0x27: {  	s1 =	sld [smem:$0x3FAA]  }
0x28: {  	s2 =	sld [smem:$0x3FAB]  }
0x29: {  	s4 =	sld [smem:$0x3FAD]  }
0x2a: {  	p0 =	seq.s32 s5, $0x0;
	s5 =	sld [smem:$0x3FAE]  }
0x2b: {  	s6 =	sld [smem:$0x3FAF]  }
0x2c: {  	s7 =	sld [smem:$0x3FB0]  }
0x2d: {  	s3 =	simm.s32 $0x108;
	s8 =	sld [smem:$0x3FB1]  }
0x2e: {  	s3 =	simm.s32 @!p0 $0x1082;
	s9 =	sld [smem:$0x3FB2]  }
0x2f: {  	lr =	sadd.s32 s0, s3;
	s0 =	sld [smem:$0x3FA9]  }
0x30: {  	s3 =	sld [smem:$0x3FAC]  }
0x31: {  	[smem:$0x3FB5] =	sst s10  }
0x32: {  	s10 =	sld [smem:$0x3FB3];
	_ =	sdelay $0x3  }
0x33: {  	p0 =	seq.s32 s10, $0x1;
	s10 =	sld [smem:$0x3FB5];
	_ =	sdelay $0x3  }
0x34: {  	[smem:$0x3FB5] =	sst s10  }
0x35: {  	s10 =	sld [smem:$0x3FB4];
	_ =	sdelay $0x3  }
0x36: {  	p1 =	seq.s32 s10, $0x1;
	s10 =	sld [smem:$0x3FB5];
	_ =	sdelay $0x3  }
0x37: {  	[smem:$0x3FB5] =	sst s10  }
0x38: {  	s10 =	sld [smem:$0x3FB6]  }
0x39: {  	_ = 	snop;
	(pc) =	sbr.ind lr, $3  }
0x3a: {  	_ = 	snop  }
0x3b: {  	_ = 	snop  }
0x3c: {  	p2 =	seq.s32 s10, $0x1;
	s10 =	sld [smem:$0x3FB5]  }
0x3d: {  	_ =	shalt  }
0x3e: {  	_ =	shalt  }
0x3f: {  	_ =	shalt  }
0x40: {  	_ =	shalt  }
0x41: {  	_ =	shalt  }
0x42: {  	_ =	shalt  }
0x43: {  	_ =	shalt  }
0x44: {  	_ =	shalt  }
0x45: {  	_ =	shalt  }
0x46: {  	_ =	shalt  }
0x47: {  	_ =	shalt  }
0x48: {  	_ =	shalt  }
0x49: {  	_ =	shalt  }
0x4a: {  	_ =	shalt  }
0x4b: {  	_ =	shalt  }
0x4c: {  	_ =	shalt  }
0x4d: {  	_ =	shalt  }
0x4e: {  	_ =	shalt  }
0x4f: {  	_ =	shalt  }
0x50: {  	_ =	shalt  }
0x51: {  	_ =	shalt  }
0x52: {  	_ =	shalt  }
0x53: {  	_ =	shalt  }
0x54: {  	_ =	shalt  }
0x55: {  	_ =	shalt  }
0x56: {  	_ =	shalt  }
0x57: {  	_ =	shalt  }
0x58: {  	_ =	shalt  }
0x59: {  	_ =	shalt  }
0x5a: {  	_ =	shalt  }
0x5b: {  	_ =	shalt  }
0x5c: {  	_ =	shalt  }
0x5d: {  	_ =	shalt  }
0x5e: {  	_ =	shalt  }
0x5f: {  	_ =	shalt  }
0x60: {  	_ =	shalt  }
0x61: {  	_ =	shalt  }
0x62: {  	_ =	shalt  }
0x63: {  	_ =	shalt  }
0x64: {  	_ =	shalt  }
0x65: {  	_ =	shalt  }
0x66: {  	_ =	shalt  }
0x67: {  	_ =	shalt  }
0x68: {  	_ =	shalt  }
0x69: {  	_ =	shalt  }
0x6a: {  	_ =	shalt  }
0x6b: {  	_ =	shalt  }
0x6c: {  	_ =	shalt  }
0x6d: {  	_ =	shalt  }
0x6e: {  	_ =	shalt  }
0x6f: {  	_ =	shalt  }
0x70: {  	_ =	shalt  }
0x71: {  	_ =	shalt  }
0x72: {  	_ =	shalt  }
0x73: {  	_ =	shalt  }
0x74: {  	_ =	shalt  }
0x75: {  	_ =	shalt  }
0x76: {  	_ =	shalt  }
0x77: {  	_ =	shalt  }
0x78: {  	_ =	shalt  }
0x79: {  	_ =	shalt  }
0x7a: {  	_ =	shalt  }
0x7b: {  	_ =	shalt  }
0x7c: {  	_ =	shalt  }
0x7d: {  	_ =	shalt  }
0x7e: {  	_ =	shalt  }
0x7f: {  	_ =	shalt  }
0x80: {  	_ =	shalt  }
0x81: {  	_ =	shalt  }
0x82: {  	_ =	shalt  }
0x83: {  	_ =	shalt  }
0x84: {  	_ =	shalt  }
0x85: {  	_ =	shalt  }
0x86: {  	_ =	shalt  }
0x87: {  	_ =	shalt  }
.Lfunc_end0:
.L_simem_size_0:
called_computation_lowered:
.L_overlay_start_0:
0x88: {  	s2 =	sld [smem:$0x3FD9]  }
0x89: {  	s3 =	sld [smem:$0x3FFE];
	_ =	sdelay $0x1  }
0x8a: {  	s1 =	srdreg.scid  }
0x8b: {  	s0 =	sand.u32 $0x1, s1  }
0x8c: {  	s17 =	sshll.u32 s0, $0xA;
	s2 =	sadd.s32 s3, s2  }
0x8d: {  	s2 =	sadd.s32 s2, s17  }
0x8e: {  	[smem:$0x3FC1] =	sst s2  }
0x8f: {  	_ = 	snop  }
0x90: {  	s2 =	sld [smem:$0x3FD0];
	(tm) =	ssettm $0x1  }
0x91: {  	s18 =	sld [smem:$0x3FFB];
	_ =	sdelay $0x3  }
0x92: {  	_ =	strace s18  }
0x93: {  	s3 =	sld [smem:$0x3FFC];
	_ =	sdelay $0x3  }
0x94: {  	_ =	strace s3  }
0x95: {  	s3 =	sld [smem:$0x3FFD];
	_ =	sdelay $0x3  }
0x96: {  	_ =	strace s3  }
0x97: {  	_ =	strace $0x8FFFFFFF  }
0x98: {  	s19 =	sld [smem:$0x3FDB];
	_ =	sdelay $0x1  }
0x99: {  	s4 =	simm.s32 $_scs_section_size  }
0x9a: {  	s5 =	simm.s32 $_size__tile_overlayer_lowered;
	s6 =	simm.s32 $_tile_overlayer_lowered  }
0x9b: {  	s22 =	simm.s32 $0x1BFF;
	s21 =	sshll.u32 s6, $0x1;
	s3 =	sadd.s32 s4, s19  }
0x9c: {  	s7 =	simm.s32 $0x0;
	s20 =	sshll.u32 s5, $0x1;
	s5 =	sadd.s32 s21, s3  }
0x9d: {  	[timem:s7], [sflag:s22] =	dma.local [hbm:s5], s20  }
0x9e: {  	_ =	swait.ge [sflag:s22], s20  }
0x9f: {  	s4 =	ssub.s32 $0x0, s20;
	[sflag:s22] =	ssyncset.done $0x0  }
0xa0: {  	[sflag:s22] =	ssyncadd.s32 s4;
	_ =	sdelay $0x1  }
0xa1: {  	s23 =	simm.s32 $0x1B8B  }
0xa2: {  	_ =	swait.ge [sflag:s23], $0x1  }
0xa3: {  	[sflag:s23] =	ssyncset.done $0x0  }
0xa4: {  	s25 =	simm.s32 $0x1B8E;
	s24 =	sld [smem:$0x3FFE];
	[sflag:s23] =	ssyncadd.s32 $0xFFFFFFFF  }
0xa5: {  	s26 =	simm.s32 $execute0_lowered;
	[smem:$0x3FD2] =	sst s25  }
0xa6: {  	s5 =	sshll.u32 s26, $0x1;
	_ =	strace $0x80000046;
	[dreg:$0x1] =	wrdreg $0xFFFFFFFF  }
0xa7: {  	s28 =	simm.s32 $_size_execute0_lowered;
	s3 =	sadd.s32 s3, s5;
	[dreg:$0x0] =	wrdreg $0x0  }
0xa8: {  	s5 =	sshll.u32 s28, $0x1;
	[dreg:$0x2] =	wrdreg s3  }
0xa9: {  	[dreg:$0x3] =	wrdreg s5  }
0xaa: {  	[dreg:$0x4] =	wrdreg $0xC0  }
0xab: {  	_ =	task [dreg:s7], $0x5FFFF  }
0xac: {  	[dreg:$0x1] =	wrdreg $0xFFFFFFFF  }
0xad: {  	[dreg:$0x0] =	wrdreg $0x60  }
0xae: {  	[dreg:$0x2] =	wrdreg s2  }
0xaf: {  	[dreg:$0x3] =	wrdreg s24  }
0xb0: {  	[dreg:$0x4] =	wrdreg $0xFB000  }
0xb1: {  	[dreg:$0x5] =	wrdreg $0x123000  }
0xb2: {  	[dreg:$0x6] =	wrdreg $0x9  }
0xb3: {  	_ =	task.clear_ibuf [dreg:s7], $0x7FFFF;
	_ =	strace $0x90000046  }
0xb4: {  	s29 =	simm.s32 $0x9;
	_ =	strace $0x80000048  }
0xb5: {  	_ =	swait.ge [sflag:s29], $0x1  }
0xb6: {  	[sflag:s29] =	ssyncadd.s32 $0xFFFFFFFF  }
0xb7: {  	_ =	strace $0x90000048  }
0xb8: {  	_ =	sfence  }
0xb9: {  	s30 =	sld [smem:$0x0];
	_ =	sdelay $0x2  }
0xba: {  	s31 =	sshll.u32 s1, $0xD;
	s1 =	sshrl.u32 s1, $0x2  }
0xbb: {  	s3 =	sand.u32 $0x4000, s31;
	s1 =	sadd.s32 s1, s30  }
0xbc: {  	s0 =	sor.u32 s3, s0;
	s1 =	sshll.u32 s1, $0x11  }
0xbd: {  	s0 =	sor.u32 s1, s0  }
0xbe: {  	s0 =	sadd.s32 $0x8F2B, s0  }
0xbf: {  	[sflag:s0] =	ssyncadd.remote.s32 $0x1  }
0xc0: {  	_ =	sfence.sel $0xFFFF  }
0xc1: {  	[dreg:$0x0] =	wrdreg $0xFFFFFFFF;
	(pc) =	sbr.abs _section_cstart, $3  }
0xc2: {  	[dreg:$0x1] =	wrdreg $0xFFFFFFFF  }
0xc3: {  	_ =	task.clear_ibuf [dreg:s7], $0x2FFFF;
	_ =	strace $0x9FFFFFFF  }
0xc4: {  	(tm) =	ssettm $0x7FFFFFFF  }
0xc5: {  	_ =	shalt  }
tec
execute0_lowered:
.L_overlay_start_1:
0x0: {  	(tag) =	ssettag $0x1  }
0x1: {  	s1 =	rddreg [dreg:$0x0]  }
0x2: {  	s0 =	rddreg [dreg:$0x1]  }
0x3: {  	s3 =	rddreg [dreg:$0x2]  }
0x4: {  	s4 =	rddreg [dreg:$0x3];
	s2 =	srdreg.scid  }
0x5: {  	s11 =	stileid.u32;
	s5 =	simm.s32 $0x0;
	s16 =	simm.s32 $0x8  }
0x6: {  	s20 =	simm.s32 $0x80;
	s22 =	simm.s32 $0x5800;
	s23 =	simm.s32 $0x6800  }
0x7: {  	s28 =	simm.s32 $0x7000;
	s29 =	simm.s32 $0x2;
	s30 =	simm.s32 $0x4  }
0x8: {  	s31 =	simm.s32 $0x7800;
	s18 =	simm.s32 $0x7;
	s8 =	smul.u32 $0x280, s11  }
0x9: {  	s2 =	sand.u32 $0x1, s2;
	s6 =	sshll.u32 s11, $0x1;
	s11 =	smul.u32 $0xA000, s11  }
0xa: {  	s21 =	simm.s32 $0x0;
	[smem:$0x7FF] =	sst s5;
	s7 =	smul.u32 $0x2800, s2  }
0xb: {  	s9 =	sor.u32 s2, s6;
	_ =	strace $0x80000047;
	s2 =	ssub.s32 $0x2, s2  }
0xc: {  	s6 =	sadd.s32 $0x1600, s0;
	s10 =	smul.u32 $0x500, s9;
	s24 =	sshrl.u32 s2, $0x1  }
0xd: {  	s11 =	sshrl.u32 s11, $0x2;
	s12 =	smul.u32 $0x4E20, s9;
	s7 =	sadd.s32 s8, s7  }
0xe: {  	s2 =	ssub.s32 s2, s24;
	s8 =	sadd.s32 s8, s4;
	s24 =	simm.s32 $0x1  }
0xf: {  	s7 =	sshll.u32 s7, $0x2;
	s10 =	sadd.s32 s10, s0;
	s26 =	sadd.s32 s6, s12  }
0x10: {  	s12 =	smul.u32 $0x27100, s9;
	s14 =	smax.u32 s2, $0x1;
	s2 =	simm.s32 $0x6  }
0x11: {  	s0 =	sadd.s32 s7, s0;
	s25 =	sadd.s32 $0xA7C00, s10;
	[dreg:$0x7] =	wrdreg s26  }
0x12: {  	s7 =	sadd.s32 s11, s3;
	s10 =	sadd.s32 $0x9DC00, s10;
	[dreg:$0x5] =	wrdreg s25  }
0x13: {  	s11 =	simm.s32 $0x8080;
	s26 =	simm.s32 $0x8000;
	[dreg:$0x6] =	wrdreg s10  }
0x14: {  	v0 =	vimm.f32 $0.0e+00;
	v1 =	vimm.f32 $1.000000000e+00;
	vm0 =	vmmov $0x1;
	s13 =	sadd.s32 $0xB1C00, s0;
	s25 =	simm.s32 $0x3;
	s0 =	simm.s32 $0x5  }
.LBB2_1:
0x15: {  	s9 =	simm.s32 $0x40;
	s10 =	simm.s32 $0x0  }
.LBB2_2:
0x16: {  	p0 =	sne.s32 s9, $0x9FC0;
	[tilespmem:s10+$0x8080] =	vst v0;
	s10 =	smov.u32 s9;
	s9 =	sadd.s32 $0x40, s9  }
.Ltmp0:
0x17: {  	(pc) =	sbr.rel @p0 .LBB2_2-.Ltmp0, $2  }
0x18: {  	_ =	sdelay $0x2  }
0x19: {  	s10 =	sshra.s32 s10, $0x2  }
0x1a: {  	[tilespmem:s10+$0x8080] =	vst v0  }
0x1b: {  	[tilespmem:$0xA880] =	vst v0  }
0x1c: {  	[tilespmem:$0xA890] =	vst v0  }
0x1d: {  	[tilespmem:$0xA8A0] =	vst v0  }
0x1e: {  	[tilespmem:$0xA8B0] =	vst v0  }
0x1f: {  	[tilespmem:$0xA8C0] =	vst v0  }
0x20: {  	[tilespmem:$0xA8D0] =	vst v0  }
0x21: {  	[tilespmem:$0xA8E0] =	vst v0  }
0x22: {  	[tilespmem:$0xA8F0] =	vst v0  }
0x23: {  	[tilespmem:$0xA900] =	vst v0  }
0x24: {  	[tilespmem:$0xA910] =	vst v0  }
0x25: {  	[tilespmem:$0xA920] =	vst v0  }
0x26: {  	[tilespmem:$0xA930] =	vst v0  }
0x27: {  	[tilespmem:$0xA940] =	vst v0  }
0x28: {  	[tilespmem:$0xA950] =	vst v0  }
0x29: {  	[tilespmem:$0xA960] =	vst v0  }
0x2a: {  	[tilespmem:$0xA970] =	vst v0  }
0x2b: {  	[tilespmem:$0xA980] =	vst v0  }
0x2c: {  	[tilespmem:$0xA990] =	vst v0  }
0x2d: {  	[tilespmem:$0xA9A0] =	vst v0  }
0x2e: {  	[tilespmem:$0xA9B0] =	vst v0  }
0x2f: {  	[tilespmem:$0xA9C0] =	vst v0  }
0x30: {  	[tilespmem:$0xA9D0] =	vst v0  }
0x31: {  	[tilespmem:$0xA9E0] =	vst v0  }
0x32: {  	[tilespmem:$0xA9F0] =	vst v0  }
0x33: {  	[tilespmem:$0xAA00] =	vst v0  }
0x34: {  	[tilespmem:$0xAA10] =	vst v0  }
0x35: {  	[tilespmem:$0xAA20] =	vst v0  }
0x36: {  	[tilespmem:$0xAA30] =	vst v0  }
0x37: {  	[tilespmem:$0xAA40] =	vst v0  }
0x38: {  	[tilespmem:$0xAA50] =	vst v0  }
0x39: {  	[tilespmem:$0xAA60] =	vst v0  }
0x3a: {  	[tilespmem:$0xAA70] =	vst v0  }
0x3b: {  	[tilespmem:$0xAA80] =	vst v0  }
0x3c: {  	[tilespmem:$0xAA90] =	vst v0  }
0x3d: {  	[tilespmem:$0xAAA0] =	vst v0  }
0x3e: {  	[tilespmem:$0xAAB0] =	vst v0  }
0x3f: {  	[tilespmem:$0xAAC0] =	vst v0  }
0x40: {  	[tilespmem:$0xAAD0] =	vst v0  }
0x41: {  	[tilespmem:$0xAAE0] =	vst v0  }
0x42: {  	[tilespmem:$0xAAF0] =	vst v0  }
0x43: {  	[tilespmem:$0x8000] =	vst v1  }
0x44: {  	[tilespmem:$0x8010] =	vst v1  }
0x45: {  	[tilespmem:$0x8020] =	vst v1  }
0x46: {  	[tilespmem:$0x8030] =	vst v1  }
0x47: {  	[tilespmem:$0x8040] =	vst v1  }
0x48: {  	[tilespmem:$0x8050] =	vst v1  }
0x49: {  	[tilespmem:$0x8060] =	vst v1  }
0x4a: {  	[tilespmem:$0x8070] =	vst v1  }
0x4b: {  	[spmem:s7] =	stream.linear.scatter [tilespmem:s11], [sflag:$0x8], $0x2800, $0x38;
	[tilespmem:$0x12580] =	vst v63  }
0x4c: {  	_ =	swait.ge [sflag:s16], $0x2800  }
0x4d: {  	[sflag:s16] =	ssyncset.done $0x0  }
0x4e: {  	s9 =	simm.s32 $0xA880;
	[sflag:s16] =	ssyncadd.s32 $0xFFFFD800  }
0x4f: {  	[spmem:s8] =	stream.linear.scatter [tilespmem:s9], [sflag:$0x8], $0x280, $0x38;
	[tilespmem:$0x12580] =	vst v63  }
0x50: {  	_ =	swait.ge [sflag:s16], $0x280  }
0x51: {  	[sflag:s16] =	ssyncset.done $0x0  }
0x52: {  	s19 =	simm.s32 $0x0;
	s11 =	rddreg [dreg:$0x5];
	[sflag:s16] =	ssyncadd.s32 $0xFFFFFD80  }
0x53: {  	[tilespmem:s19], [sflag:$0x8] =	stream.linear.gather [hbm4b:s11+s19], $0x2800, $0x38;
	[tilespmem:$0x12580] =	vst v63  }
0x54: {  	_ =	swait.ge [sflag:s16], $0x2800  }
0x55: {  	[sflag:s16] =	ssyncset.done $0x0  }
0x56: {  	s17 =	simm.s32 $0x2800;
	s15 =	rddreg [dreg:$0x6];
	[sflag:s16] =	ssyncadd.s32 $0xFFFFD800  }
0x57: {  	[tilespmem:s17], [sflag:$0x8] =	stream.linear.gather [hbm4b:s15+s19], $0x2800, $0x38;
	[tilespmem:$0x12580] =	vst v63  }
0x58: {  	_ =	swait.ge [sflag:s16], $0x2800  }
0x59: {  	[sflag:s16] =	ssyncset.done $0x0  }
0x5a: {  	[sflag:s16] =	ssyncadd.s32 $0xFFFFD800  }
0x5b: {  	[bflag:$0x0] =	sbarrier.arrive $0xFFFF  }
0x5c: {  	s15 =	simm.s32 $0x5000;
	s11 =	rddreg [dreg:$0x7]  }
0x5d: {  	[tilespmem:s15], [sflag:$0x1] =	stream.linear.gather [hbm4b:s11+s19], $0x800, $0x38;
	[tilespmem:$0x12580] =	vst v63  }
0x5e: {  	s17 =	simm.s32 $0x6000  }
0x5f: {  	[tilespmem:s17], [sflag:$0x3] =	stream.indirect.gather [hbm4b:s1+s20], $0x10, s19, s20, $0xb8;
	[tilespmem:$0x12580] =	vst v63  }
.LBB2_4:
0x60: {  	s9 =	sshllo.u32 s19, $0x1  }
0x61: {  	s10 =	sshll.u32 s9, $0xB  }
0x62: {  	s10 =	sadd.s32 s12, s10  }
0x63: {  	s10 =	sshrl.u32 s10, $0x3  }
0x64: {  	s10 =	sadd.s32 s6, s10  }
0x65: {  	[tilespmem:s22], [sflag:$0x2] =	stream.linear.gather [hbm4b:s10+s5], $0x800, $0x38;
	[tilespmem:$0x12580] =	vst v63  }
0x66: {  	s15 =	sshll.u32 s9, $0x7  }
0x67: {  	[tilespmem:s23], [sflag:$0x4] =	stream.indirect.gather [hbm4b:s1+s20], $0x10, s15, s20, $0xb8;
	[tilespmem:$0x12580] =	vst v63  }
0x68: {  	_ =	swait.ge [sflag:s24], $0x800  }
0x69: {  	[sflag:s24] =	ssyncset.done $0x0  }
0x6a: {  	[sflag:s24] =	ssyncadd.s32 $0xFFFFF800  }
0x6b: {  	_ =	swait.ge [sflag:s25], $0x800  }
0x6c: {  	p0 =	seq.s32 s19, $0x0;
	[sflag:s25] =	ssyncset.done $0x0  }
0x6d: {  	s9 =	simm.s32 @!p0 $0x5;
	[sflag:s25] =	ssyncadd.s32 $0xFFFFF800  }
0x6e: {  	_ =	swait.ge @!p0 [sflag:s9], $0x800  }
0x6f: {  	[sflag:s9] =	ssyncset.done @!p0 $0x0  }
0x70: {  	s17 =	simm.s32 $0x0;
	[sflag:s9] =	ssyncadd.s32 @!p0 $0xFFFFF800  }
0x71: {  	v2 =	vld [tilespmem:s17+$0x6070]  }
0x72: {  	v3 =	vld [tilespmem:s17+$0x5070]  }
0x73: {  	v4 =	vld [tilespmem:s17+$0x6000]  }
0x74: {  	v5 =	vld [tilespmem:s17+$0x5000]  }
0x75: {  	v6 =	vld [tilespmem:s17+$0x6010]  }
0x76: {  	v7 =	vld [tilespmem:s17+$0x5010]  }
0x77: {  	v8 =	vld [tilespmem:s17+$0x6020]  }
0x78: {  	v2 =	vadd.f32 v3, v2;
	v3 =	vld [tilespmem:s17+$0x5020]  }
0x79: {  	v9 =	vld [tilespmem:s17+$0x6030]  }
0x7a: {  	v10 =	vld [tilespmem:s17+$0x5030];
	v4 =	vadd.f32 v5, v4  }
0x7b: {  	v11 =	vld [tilespmem:s17+$0x6040];
	v2 =	vmax.f32 v2, $0.0e+00  }
0x7c: {  	[tilespmem:s17+$0x7070] =	vst v2;
	v2 =	vmax.f32 v4, $0.0e+00;
	v4 =	vadd.f32 v7, v6;
	v7 =	vld [tilespmem:s17+$0x5040]  }
0x7d: {  	v5 =	vld [tilespmem:s17+$0x5050];
	v3 =	vadd.f32 v3, v8  }
0x7e: {  	[tilespmem:s17+$0x7000] =	vst v2;
	v2 =	vld [tilespmem:s17+$0x6050];
	v4 =	vmax.f32 v4, $0.0e+00  }
0x7f: {  	v6 =	vld [tilespmem:s17+$0x5060];
	v8 =	vadd.f32 v10, v9;
	[tilespmem:s17+$0x7010] =	vst v4;
	v4 =	vmax.f32 v3, $0.0e+00  }
0x80: {  	s10 =	simm.s32 $0x80;
	v3 =	vld [tilespmem:s17+$0x6060];
	[tilespmem:s17+$0x7020] =	vst v4  }
0x81: {  	s11 =	simm.s32 $0x400;
	s9 =	sshll.u32 s19, $0x1;
	v8 =	vmax.f32 v8, $0.0e+00;
	v7 =	vadd.f32 v7, v11;
	v4 =	vld [tilespmem:s10+$0x6070]  }
.LBB2_5:
0x82: {  	p1 =	sne.s32 s11, $0x1E00;
	v9 =	vld [tilespmem:s10+$0x5070];
	[tilespmem:s17+$0x7030] =	vst v8  }
0x83: {  	v8 =	vld [tilespmem:s10+$0x6000];
	v7 =	vmax.f32 v7, $0.0e+00;
	v2 =	vadd.f32 v5, v2  }
0x84: {  	v5 =	vld [tilespmem:s10+$0x5000];
	[tilespmem:s17+$0x7040] =	vst v7  }
0x85: {  	v7 =	vld [tilespmem:s10+$0x6010];
	v2 =	vmax.f32 v2, $0.0e+00;
	v3 =	vadd.f32 v6, v3  }
0x86: {  	v6 =	vld [tilespmem:s10+$0x5010];
	[tilespmem:s17+$0x7050] =	vst v2  }
0x87: {  	v2 =	vld [tilespmem:s10+$0x6020];
	v4 =	vadd.f32 v9, v4;
	v3 =	vmax.f32 v3, $0.0e+00  }
0x88: {  	v9 =	vld [tilespmem:s10+$0x5020];
	[tilespmem:s17+$0x7060] =	vst v3;
	s17 =	smov.u32 s10  }
0x89: {  	v3 =	vadd.f32 v5, v8;
	v8 =	vld [tilespmem:s17+$0x6030];
	v4 =	vmax.f32 v4, $0.0e+00  }
0x8a: {  	v10 =	vld [tilespmem:s17+$0x5030];
	[tilespmem:s17+$0x7070] =	vst v4  }
0x8b: {  	v3 =	vmax.f32 v3, $0.0e+00;
	v4 =	vadd.f32 v6, v7;
	v7 =	vld [tilespmem:s17+$0x6040]  }
0x8c: {  	[tilespmem:s17+$0x7000] =	vst v3;
	v11 =	vld [tilespmem:s17+$0x5040]  }
.Ltmp1:
0x8d: {  	v3 =	vmax.f32 v4, $0.0e+00;
	v4 =	vadd.f32 v9, v2;
	v2 =	vld [tilespmem:s17+$0x6050];
	(pc) =	sbr.rel @p1 .LBB2_5-.Ltmp1, $4  }
0x8e: {  	[tilespmem:s17+$0x7010] =	vst v3;
	v5 =	vld [tilespmem:s17+$0x5050]  }
0x8f: {  	v4 =	vmax.f32 v4, $0.0e+00;
	v8 =	vadd.f32 v10, v8;
	v3 =	vld [tilespmem:s17+$0x6060]  }
0x90: {  	s10 =	sshra.s32 s11, $0x2;
	[tilespmem:s17+$0x7020] =	vst v4;
	v6 =	vld [tilespmem:s17+$0x5060]  }
0x91: {  	s11 =	sadd.s32 $0x200, s11;
	v4 =	vld [tilespmem:s10+$0x6070];
	v8 =	vmax.f32 v8, $0.0e+00;
	v7 =	vadd.f32 v11, v7  }
0x92: {  	v9 =	vld [tilespmem:s10+$0x5070];
	[tilespmem:s17+$0x7030] =	vst v8  }
0x93: {  	v8 =	vld [tilespmem:s10+$0x6000];
	v7 =	vmax.f32 v7, $0.0e+00;
	v2 =	vadd.f32 v5, v2  }
0x94: {  	v10 =	vld [tilespmem:s10+$0x5000];
	[tilespmem:s17+$0x7040] =	vst v7  }
0x95: {  	v5 =	vld [tilespmem:s10+$0x6010];
	v2 =	vmax.f32 v2, $0.0e+00;
	v3 =	vadd.f32 v6, v3  }
0x96: {  	v7 =	vld [tilespmem:s10+$0x5010];
	[tilespmem:s17+$0x7050] =	vst v2  }
0x97: {  	v2 =	vld [tilespmem:s10+$0x6020];
	v3 =	vmax.f32 v3, $0.0e+00  }
0x98: {  	v6 =	vld [tilespmem:s10+$0x5020];
	v4 =	vadd.f32 v9, v4;
	[tilespmem:s17+$0x7060] =	vst v3  }
0x99: {  	v8 =	vadd.f32 v10, v8;
	v3 =	vld [tilespmem:s10+$0x6030]  }
0x9a: {  	v4 =	vmax.f32 v4, $0.0e+00;
	v9 =	vld [tilespmem:s10+$0x5030]  }
0x9b: {  	[tilespmem:s10+$0x7070] =	vst v4;
	v4 =	vmax.f32 v8, $0.0e+00;
	v8 =	vld [tilespmem:s10+$0x6040]  }
0x9c: {  	v5 =	vadd.f32 v7, v5;
	v7 =	vld [tilespmem:s10+$0x6050]  }
0x9d: {  	[tilespmem:s10+$0x7000] =	vst v4;
	v4 =	vld [tilespmem:s10+$0x5040];
	v2 =	vadd.f32 v6, v2  }
0x9e: {  	v5 =	vmax.f32 v5, $0.0e+00;
	v6 =	vld [tilespmem:s10+$0x6060]  }
0x9f: {  	[tilespmem:s10+$0x7010] =	vst v5;
	v5 =	vld [tilespmem:s10+$0x5050];
	v2 =	vmax.f32 v2, $0.0e+00  }
0xa0: {  	[tilespmem:s10+$0x7020] =	vst v2;
	v2 =	vld [tilespmem:s10+$0x5060];
	_ =	sdelay $0x1  }
0xa1: {  	v3 =	vadd.f32 v9, v3  }
0xa2: {  	v4 =	vadd.f32 v4, v8  }
0xa3: {  	v3 =	vmax.f32 v3, $0.0e+00;
	v5 =	vadd.f32 v5, v7  }
0xa4: {  	[tilespmem:s10+$0x7030] =	vst v3;
	v3 =	vmax.f32 v4, $0.0e+00;
	v2 =	vadd.f32 v2, v6  }
0xa5: {  	s11 =	sshll.u32 s19, $0x8;
	p1 =	seq.s32 s19, $0x27;
	[tilespmem:s10+$0x7040] =	vst v3;
	v3 =	vmax.f32 v5, $0.0e+00  }
0xa6: {  	s11 =	sand.u32 $0x3FFFFF00, s11;
	s9 =	sadd.s32 @!p1 $0x2, s9;
	[tilespmem:s10+$0x7050] =	vst v3;
	v2 =	vmax.f32 v2, $0.0e+00  }
0xa7: {  	s17 =	sadd.s32 $0x2800, s11;
	[tilespmem:s10+$0x7060] =	vst v2;
	s10 =	sshll.u32 @!p1 s9, $0xB  }
0xa8: {  	[spmem:s4] =	stream.indirect.scatter.add.f32 [tilespmem:s26], [sflag:$0x7], $0x1, s17, s20, $0xb8;
	[tilespmem:$0x12580] =	vst v63  }
0xa9: {  	s10 =	sadd.s32 @!p1 s12, s10  }
0xaa: {  	s11 =	simm.s32 @!p1 $0x0;
	s10 =	sshrl.u32 @!p1 s10, $0x3  }
0xab: {  	[spmem:s3] =	stream.indirect.scatter.add.f32 [tilespmem:s28], [sflag:$0x5], $0x10, s17, s20, $0xb8;
	[tilespmem:$0x12580] =	vst v63  }
0xac: {  	s9 =	sshll.u32 @!p1 s9, $0x7;
	s10 =	sadd.s32 @!p1 s6, s10;
	s17 =	simm.s32 @!p1 $0x5000  }
0xad: {  	[tilespmem:s17], [sflag:$0x1] =	stream.linear.gather @!p1 [hbm4b:s10+s11], $0x800, $0x38;
	[tilespmem:$0x12580] =	vst v63  }
0xae: {  	s9 =	sand.u32 @!p1 $0x3FFFFF80, s9;
	s10 =	simm.s32 @!p1 $0x80;
	s11 =	simm.s32 @!p1 $0x6000  }
0xaf: {  	[tilespmem:s11], [sflag:$0x3] =	stream.indirect.gather @!p1 [hbm4b:s1+s10], $0x10, s9, s10, $0xb8;
	[tilespmem:$0x12580] =	vst v63  }
0xb0: {  	_ =	swait.ge [sflag:s29], $0x800  }
0xb1: {  	[sflag:s29] =	ssyncset.done $0x0  }
0xb2: {  	[sflag:s29] =	ssyncadd.s32 $0xFFFFF800  }
0xb3: {  	_ =	swait.ge [sflag:s30], $0x800  }
0xb4: {  	[sflag:s30] =	ssyncset.done $0x0  }
0xb5: {  	s9 =	simm.s32 @!p0 $0x6;
	[sflag:s30] =	ssyncadd.s32 $0xFFFFF800  }
0xb6: {  	_ =	swait.ge @!p0 [sflag:s9], $0x800  }
0xb7: {  	[sflag:s9] =	ssyncset.done @!p0 $0x0  }
0xb8: {  	[sflag:s9] =	ssyncadd.s32 @!p0 $0xFFFFF800;
	s9 =	simm.s32 $0x0  }
0xb9: {  	v2 =	vld [tilespmem:s9+$0x6870]  }
0xba: {  	v3 =	vld [tilespmem:s9+$0x5870]  }
0xbb: {  	v4 =	vld [tilespmem:s9+$0x6800]  }
0xbc: {  	v5 =	vld [tilespmem:s9+$0x5800]  }
0xbd: {  	v6 =	vld [tilespmem:s9+$0x6810]  }
0xbe: {  	v7 =	vld [tilespmem:s9+$0x5810]  }
0xbf: {  	v8 =	vld [tilespmem:s9+$0x6820]  }
0xc0: {  	v2 =	vadd.f32 v3, v2;
	v3 =	vld [tilespmem:s9+$0x5820]  }
0xc1: {  	v9 =	vld [tilespmem:s9+$0x6830]  }
0xc2: {  	v10 =	vld [tilespmem:s9+$0x5830];
	v4 =	vadd.f32 v5, v4  }
0xc3: {  	v11 =	vld [tilespmem:s9+$0x6840];
	v2 =	vmax.f32 v2, $0.0e+00  }
0xc4: {  	[tilespmem:s9+$0x7870] =	vst v2;
	v2 =	vmax.f32 v4, $0.0e+00;
	v4 =	vadd.f32 v7, v6;
	v7 =	vld [tilespmem:s9+$0x5840]  }
0xc5: {  	v5 =	vld [tilespmem:s9+$0x5850];
	v3 =	vadd.f32 v3, v8  }
0xc6: {  	[tilespmem:s9+$0x7800] =	vst v2;
	v2 =	vld [tilespmem:s9+$0x6850];
	v4 =	vmax.f32 v4, $0.0e+00  }
0xc7: {  	v6 =	vld [tilespmem:s9+$0x5860];
	v8 =	vadd.f32 v10, v9;
	[tilespmem:s9+$0x7810] =	vst v4;
	v4 =	vmax.f32 v3, $0.0e+00  }
0xc8: {  	s10 =	simm.s32 $0x80;
	v3 =	vld [tilespmem:s9+$0x6860];
	[tilespmem:s9+$0x7820] =	vst v4  }
0xc9: {  	s11 =	simm.s32 $0x400;
	v8 =	vmax.f32 v8, $0.0e+00;
	v7 =	vadd.f32 v7, v11;
	v4 =	vld [tilespmem:s10+$0x6870]  }
.LBB2_7:
0xca: {  	p0 =	sne.s32 s11, $0x1E00;
	v9 =	vld [tilespmem:s10+$0x5870];
	[tilespmem:s9+$0x7830] =	vst v8  }
0xcb: {  	v8 =	vld [tilespmem:s10+$0x6800];
	v7 =	vmax.f32 v7, $0.0e+00;
	v2 =	vadd.f32 v5, v2  }
0xcc: {  	v5 =	vld [tilespmem:s10+$0x5800];
	[tilespmem:s9+$0x7840] =	vst v7  }
0xcd: {  	v7 =	vld [tilespmem:s10+$0x6810];
	v2 =	vmax.f32 v2, $0.0e+00;
	v3 =	vadd.f32 v6, v3  }
0xce: {  	v6 =	vld [tilespmem:s10+$0x5810];
	[tilespmem:s9+$0x7850] =	vst v2  }
0xcf: {  	v2 =	vld [tilespmem:s10+$0x6820];
	v4 =	vadd.f32 v9, v4;
	v3 =	vmax.f32 v3, $0.0e+00  }
0xd0: {  	v9 =	vld [tilespmem:s10+$0x5820];
	[tilespmem:s9+$0x7860] =	vst v3;
	s9 =	smov.u32 s10  }
0xd1: {  	v3 =	vadd.f32 v5, v8;
	v8 =	vld [tilespmem:s9+$0x6830];
	v4 =	vmax.f32 v4, $0.0e+00  }
0xd2: {  	v10 =	vld [tilespmem:s9+$0x5830];
	[tilespmem:s9+$0x7870] =	vst v4  }
0xd3: {  	v3 =	vmax.f32 v3, $0.0e+00;
	v4 =	vadd.f32 v6, v7;
	v7 =	vld [tilespmem:s9+$0x6840]  }
0xd4: {  	[tilespmem:s9+$0x7800] =	vst v3;
	v11 =	vld [tilespmem:s9+$0x5840]  }
.Ltmp2:
0xd5: {  	v3 =	vmax.f32 v4, $0.0e+00;
	v4 =	vadd.f32 v9, v2;
	v2 =	vld [tilespmem:s9+$0x6850];
	(pc) =	sbr.rel @p0 .LBB2_7-.Ltmp2, $4  }
0xd6: {  	[tilespmem:s9+$0x7810] =	vst v3;
	v5 =	vld [tilespmem:s9+$0x5850]  }
0xd7: {  	v4 =	vmax.f32 v4, $0.0e+00;
	v8 =	vadd.f32 v10, v8;
	v3 =	vld [tilespmem:s9+$0x6860]  }
0xd8: {  	s10 =	sshra.s32 s11, $0x2;
	[tilespmem:s9+$0x7820] =	vst v4;
	v6 =	vld [tilespmem:s9+$0x5860]  }
0xd9: {  	s11 =	sadd.s32 $0x200, s11;
	v4 =	vld [tilespmem:s10+$0x6870];
	v8 =	vmax.f32 v8, $0.0e+00;
	v7 =	vadd.f32 v11, v7  }
0xda: {  	v9 =	vld [tilespmem:s10+$0x5870];
	[tilespmem:s9+$0x7830] =	vst v8  }
0xdb: {  	v8 =	vld [tilespmem:s10+$0x6800];
	v7 =	vmax.f32 v7, $0.0e+00;
	v2 =	vadd.f32 v5, v2  }
0xdc: {  	v10 =	vld [tilespmem:s10+$0x5800];
	[tilespmem:s9+$0x7840] =	vst v7  }
0xdd: {  	v55 =	vld [tilespmem:s10+$0x6810];
	v2 =	vmax.f32 v2, $0.0e+00;
	v3 =	vadd.f32 v6, v3  }
0xde: {  	v7 =	vld [tilespmem:s10+$0x5810];
	[tilespmem:s9+$0x7850] =	vst v2  }
0xdf: {  	v2 =	vld [tilespmem:s10+$0x6820];
	v3 =	vmax.f32 v3, $0.0e+00  }
0xe0: {  	v56 =	vld [tilespmem:s10+$0x5820];
	[tilespmem:s9+$0x7860] =	vst v3  }
0xe1: {  	v3 =	vld [tilespmem:s10+$0x6830]  }
0xe2: {  	v57 =	vld [tilespmem:s10+$0x5830]  }
0xe3: {  	v59 =	vld [tilespmem:s10+$0x6840]  }
0xe4: {  	v60 =	vld [tilespmem:s10+$0x5840]  }
0xe5: {  	v61 =	vld [tilespmem:s10+$0x6850];
	v2 =	vadd.f32 v56, v2  }
0xe6: {  	v62 =	vld [tilespmem:s10+$0x5850]  }
0xe7: {  	v4 =	vadd.f32 v9, v4;
	v63 =	vld [tilespmem:s10+$0x6860];
	v2 =	vmax.f32 v2, $0.0e+00  }
0xe8: {  	v8 =	vadd.f32 v10, v8;
	[tilespmem:s10+$0x7820] =	vst v2;
	v2 =	vld [tilespmem:s10+$0x5860]  }
0xe9: {  	v4 =	vmax.f32 v4, $0.0e+00;
	v5 =	vadd.f32 v7, v55  }
0xea: {  	[tilespmem:s10+$0x7870] =	vst v4;
	v58 =	vmax.f32 v8, $0.0e+00;
	v3 =	vadd.f32 v57, v3  }
0xeb: {  	[tilespmem:s10+$0x7800] =	vst v58;
	v5 =	vmax.f32 v5, $0.0e+00;
	v4 =	vadd.f32 v60, v59  }
0xec: {  	[tilespmem:s10+$0x7810] =	vst v5;
	v5 =	vadd.f32 v62, v61;
	v3 =	vmax.f32 v3, $0.0e+00  }
0xed: {  	s19 =	sadd.s32 $0x1, s19;
	[tilespmem:s10+$0x7830] =	vst v3;
	v3 =	vmax.f32 v4, $0.0e+00;
	v2 =	vadd.f32 v2, v63  }
0xee: {  	p0 =	sne.s32 s19, $0x28;
	[tilespmem:s10+$0x7840] =	vst v3;
	v3 =	vmax.f32 v5, $0.0e+00  }
.Ltmp3:
0xef: {  	[tilespmem:s10+$0x7850] =	vst v3;
	v2 =	vmax.f32 v2, $0.0e+00;
	(pc) =	sbr.rel @p0 .LBB2_4-.Ltmp3, $4  }
0xf0: {  	s17 =	sadd.s32 $0x2800, s15;
	[tilespmem:s10+$0x7860] =	vst v2  }
0xf1: {  	[spmem:s4] =	stream.indirect.scatter.add.f32 [tilespmem:s26], [sflag:$0x7], $0x1, s17, s20, $0xb8;
	[tilespmem:$0x12580] =	vst v63  }
0xf2: {  	_ = 	snop  }
0xf3: {  	[spmem:s3] =	stream.indirect.scatter.add.f32 [tilespmem:s31], [sflag:$0x6], $0x10, s17, s20, $0xb8;
	[tilespmem:$0x12580] =	vst v63  }
0xf4: {  	_ =	swait.ge [sflag:s0], $0x800  }
0xf5: {  	[sflag:s0] =	ssyncset.done $0x0  }
0xf6: {  	[sflag:s0] =	ssyncadd.s32 $0xFFFFF800  }
0xf7: {  	_ =	swait.ge [sflag:s2], $0x800  }
0xf8: {  	[sflag:s2] =	ssyncset.done $0x0  }
0xf9: {  	[sflag:s2] =	ssyncadd.s32 $0xFFFFF800  }
0xfa: {  	_ =	swait.ge [sflag:s18], $0x80  }
0xfb: {  	s9 =	simm.s32 $0x4F;
	[sflag:s18] =	ssyncset.done $0x0  }
.LBB2_10:
0xfc: {  	p0 =	sne.s32 s9, $0x1;
	s9 =	sadd.s32 $0xFFFFFFFF, s9;
	[sflag:s18] =	ssyncadd.s32 $0xFFFFFF80  }
.Ltmp4:
0xfd: {  	(pc) =	sbr.rel @p0 .LBB2_10-.Ltmp4, $3  }
0xfe: {  	_ =	sdelay $0x1  }
0xff: {  	_ =	swait.ge [sflag:s18], $0x80  }
0x100: {  	[sflag:s18] =	ssyncset.done $0x0  }
0x101: {  	[sflag:s18] =	ssyncadd.s32 $0xFFFFFF80  }
0x102: {  	s11 =	simm.s32 $0x8080;
	[bflag:$0x0] =	sbarrier.arrive $0xFFFF  }
0x103: {  	[tilespmem:s11], [sflag:$0x8] =	stream.linear.gather [spmem:s7], $0x2800, $0x38;
	[tilespmem:$0x12580] =	vst v63  }
0x104: {  	_ =	swait.ge [sflag:s16], $0x2800  }
0x105: {  	[sflag:s16] =	ssyncset.done $0x0  }
0x106: {  	s9 =	simm.s32 $0xA880;
	[sflag:s16] =	ssyncadd.s32 $0xFFFFD800  }
0x107: {  	[tilespmem:s9], [sflag:$0x8] =	stream.linear.gather [spmem:s8], $0x280, $0x38;
	[tilespmem:$0x12580] =	vst v63  }
0x108: {  	_ =	swait.ge [sflag:s16], $0x280  }
0x109: {  	[sflag:s16] =	ssyncset.done $0x0  }
0x10a: {  	s19 =	simm.s32 $0x0;
	[sflag:s16] =	ssyncadd.s32 $0xFFFFFD80  }
0x10b: {  	s15 =	simm.s32 $0x8100;
	v2 =	vld [tilespmem:s19+$0xA880]  }
0x10c: {  	v3 =	vld [tilespmem:s15+$0xFFFFFF80];
	_ =	sdelay $0x3  }
0x10d: {  	s19 =	simm.s32 $0xAC00  }
0x10e: {  	v4 =	vnsel vm0, $0x0, v2;
	[tilespmem:s19+$0xFFFFFF00] =	vst v3  }
0x10f: {  	[tilespmem:s19+$0xFFFFFF10] =	vst v4  }
0x110: {  	v3 =	vld [tilespmem:s15+$0xFFFFFF90]  }
0x111: {  	v4 =	vbroadcast v2, $0x1;
	_ =	sdelay $0x1  }
0x112: {  	v4 =	vnsel vm0, $0x0, v4  }
0x113: {  	[tilespmem:s19+$0xFFFFFF30] =	vst v4  }
0x114: {  	[tilespmem:s19+$0xFFFFFF20] =	vst v3  }
0x115: {  	v3 =	vld [tilespmem:s15+$0xFFFFFFA0]  }
0x116: {  	v4 =	vbroadcast v2, $0x2;
	_ =	sdelay $0x1  }
0x117: {  	v4 =	vnsel vm0, $0x0, v4  }
0x118: {  	[tilespmem:s19+$0xFFFFFF50] =	vst v4  }
0x119: {  	[tilespmem:s19+$0xFFFFFF40] =	vst v3  }
0x11a: {  	v3 =	vld [tilespmem:s15+$0xFFFFFFB0]  }
0x11b: {  	v4 =	vbroadcast v2, $0x3;
	_ =	sdelay $0x1  }
0x11c: {  	v4 =	vnsel vm0, $0x0, v4  }
0x11d: {  	[tilespmem:s19+$0xFFFFFF70] =	vst v4  }
0x11e: {  	[tilespmem:s19+$0xFFFFFF60] =	vst v3  }
0x11f: {  	v3 =	vld [tilespmem:s15+$0xFFFFFFC0]  }
0x120: {  	v4 =	vbroadcast v2, $0x4;
	_ =	sdelay $0x1  }
0x121: {  	v4 =	vnsel vm0, $0x0, v4  }
0x122: {  	[tilespmem:s19+$0xFFFFFF90] =	vst v4  }
0x123: {  	[tilespmem:s19+$0xFFFFFF80] =	vst v3  }
0x124: {  	v3 =	vld [tilespmem:s15+$0xFFFFFFD0]  }
0x125: {  	v4 =	vbroadcast v2, $0x5;
	_ =	sdelay $0x1  }
0x126: {  	v4 =	vnsel vm0, $0x0, v4  }
0x127: {  	[tilespmem:s19+$0xFFFFFFB0] =	vst v4  }
0x128: {  	[tilespmem:s19+$0xFFFFFFA0] =	vst v3  }
0x129: {  	v3 =	vld [tilespmem:s15+$0xFFFFFFE0]  }
0x12a: {  	v4 =	vbroadcast v2, $0x6;
	_ =	sdelay $0x1  }
0x12b: {  	v4 =	vnsel vm0, $0x0, v4  }
0x12c: {  	[tilespmem:s19+$0xFFFFFFD0] =	vst v4  }
0x12d: {  	[tilespmem:s19+$0xFFFFFFC0] =	vst v3  }
0x12e: {  	v3 =	vld [tilespmem:s15+$0xFFFFFFF0]  }
0x12f: {  	v4 =	vbroadcast v2, $0x7;
	_ =	sdelay $0x1  }
0x130: {  	v4 =	vnsel vm0, $0x0, v4  }
0x131: {  	[tilespmem:s19+$0xFFFFFFF0] =	vst v4  }
0x132: {  	[tilespmem:s19+$0xFFFFFFE0] =	vst v3  }
0x133: {  	v3 =	vld [tilespmem:s15+$0x0]  }
0x134: {  	v4 =	vbroadcast v2, $0x8;
	_ =	sdelay $0x1  }
0x135: {  	v4 =	vnsel vm0, $0x0, v4  }
0x136: {  	[tilespmem:s19+$0x10] =	vst v4  }
0x137: {  	[tilespmem:s19+$0x0] =	vst v3  }
0x138: {  	v3 =	vld [tilespmem:s15+$0x10]  }
0x139: {  	v4 =	vbroadcast v2, $0x9;
	_ =	sdelay $0x1  }
0x13a: {  	v4 =	vnsel vm0, $0x0, v4  }
0x13b: {  	[tilespmem:s19+$0x30] =	vst v4  }
0x13c: {  	[tilespmem:s19+$0x20] =	vst v3  }
0x13d: {  	v3 =	vld [tilespmem:s15+$0x20]  }
0x13e: {  	v4 =	vbroadcast v2, $0xA;
	_ =	sdelay $0x1  }
0x13f: {  	v4 =	vnsel vm0, $0x0, v4  }
0x140: {  	[tilespmem:s19+$0x50] =	vst v4  }
0x141: {  	[tilespmem:s19+$0x40] =	vst v3  }
0x142: {  	v3 =	vld [tilespmem:s15+$0x30]  }
0x143: {  	v4 =	vbroadcast v2, $0xB;
	_ =	sdelay $0x1  }
0x144: {  	v4 =	vnsel vm0, $0x0, v4  }
0x145: {  	[tilespmem:s19+$0x70] =	vst v4  }
0x146: {  	[tilespmem:s19+$0x60] =	vst v3  }
0x147: {  	v3 =	vld [tilespmem:s15+$0x40]  }
0x148: {  	v4 =	vbroadcast v2, $0xC;
	_ =	sdelay $0x1  }
0x149: {  	v4 =	vnsel vm0, $0x0, v4  }
0x14a: {  	[tilespmem:s19+$0x90] =	vst v4  }
0x14b: {  	[tilespmem:s19+$0x80] =	vst v3  }
0x14c: {  	v3 =	vld [tilespmem:s15+$0x50]  }
0x14d: {  	v4 =	vbroadcast v2, $0xD;
	_ =	sdelay $0x1  }
0x14e: {  	v4 =	vnsel vm0, $0x0, v4  }
0x14f: {  	[tilespmem:s19+$0xB0] =	vst v4  }
0x150: {  	[tilespmem:s19+$0xA0] =	vst v3  }
0x151: {  	v3 =	vld [tilespmem:s15+$0x60]  }
0x152: {  	v4 =	vbroadcast v2, $0xE;
	_ =	sdelay $0x1  }
0x153: {  	v4 =	vnsel vm0, $0x0, v4  }
0x154: {  	v2 =	vbroadcast v2, $0xF;
	[tilespmem:s19+$0xD0] =	vst v4  }
0x155: {  	[tilespmem:s19+$0xC0] =	vst v3  }
0x156: {  	v2 =	vnsel vm0, $0x0, v2;
	v3 =	vld [tilespmem:s15+$0x70]  }
0x157: {  	s17 =	simm.s32 $0x40;
	s9 =	simm.s32 $0xAC00;
	[tilespmem:s19+$0xF0] =	vst v2  }
.LBB2_12:
0x158: {  	_ =	sdelay $0x1  }
0x159: {  	p0 =	sne.s32 s17, $0x9C0;
	s15 =	sadd.s32 $0x100, s15;
	s19 =	sadd.s32 $0x200, s19  }
0x15a: {  	s10 =	sshra.s32 s17, $0x2;
	s17 =	sadd.s32 $0x40, s17;
	[tilespmem:s9+$0xE0] =	vst v3;
	s9 =	smov.u32 s19  }
0x15b: {  	v2 =	vld [tilespmem:s10+$0xA880]  }
0x15c: {  	v3 =	vld [tilespmem:s15+$0xFFFFFF80];
	_ =	sdelay $0x3  }
0x15d: {  	v4 =	vnsel vm0, $0x0, v2;
	v5 =	vbroadcast v2, $0x1;
	v6 =	vbroadcast v2, $0x2  }
0x15e: {  	v7 =	vbroadcast v2, $0x4;
	[tilespmem:s19+$0xFFFFFF10] =	vst v4;
	v4 =	vbroadcast v2, $0x3  }
0x15f: {  	v8 =	vbroadcast v2, $0x6;
	[tilespmem:s19+$0xFFFFFF00] =	vst v3;
	v3 =	vbroadcast v2, $0x5  }
0x160: {  	v10 =	vbroadcast v2, $0x7;
	v11 =	vbroadcast v2, $0x8;
	v9 =	vld [tilespmem:s15+$0xFFFFFF90]  }
0x161: {  	v12 =	vbroadcast v2, $0x9;
	v13 =	vbroadcast v2, $0xA  }
0x162: {  	v14 =	vbroadcast v2, $0xB;
	v15 =	vbroadcast v2, $0xC  }
0x163: {  	v16 =	vbroadcast v2, $0xD;
	v17 =	vbroadcast v2, $0xE;
	v5 =	vnsel vm0, $0x0, v5  }
0x164: {  	v2 =	vbroadcast v2, $0xF;
	[tilespmem:s19+$0xFFFFFF30] =	vst v5  }
0x165: {  	[tilespmem:s19+$0xFFFFFF20] =	vst v9  }
0x166: {  	v5 =	vld [tilespmem:s15+$0xFFFFFFA0];
	_ =	sdelay $0x2  }
0x167: {  	v6 =	vnsel vm0, $0x0, v6  }
0x168: {  	[tilespmem:s19+$0xFFFFFF50] =	vst v6  }
0x169: {  	[tilespmem:s19+$0xFFFFFF40] =	vst v5  }
0x16a: {  	v5 =	vld [tilespmem:s15+$0xFFFFFFB0];
	_ =	sdelay $0x2  }
0x16b: {  	v4 =	vnsel vm0, $0x0, v4  }
0x16c: {  	[tilespmem:s19+$0xFFFFFF70] =	vst v4  }
0x16d: {  	[tilespmem:s19+$0xFFFFFF60] =	vst v5  }
0x16e: {  	v4 =	vld [tilespmem:s15+$0xFFFFFFC0];
	_ =	sdelay $0x2  }
0x16f: {  	v5 =	vnsel vm0, $0x0, v7  }
0x170: {  	[tilespmem:s19+$0xFFFFFF90] =	vst v5  }
0x171: {  	[tilespmem:s19+$0xFFFFFF80] =	vst v4  }
0x172: {  	v4 =	vld [tilespmem:s15+$0xFFFFFFD0];
	_ =	sdelay $0x2  }
0x173: {  	v3 =	vnsel vm0, $0x0, v3  }
0x174: {  	[tilespmem:s19+$0xFFFFFFB0] =	vst v3  }
0x175: {  	[tilespmem:s19+$0xFFFFFFA0] =	vst v4  }
0x176: {  	v3 =	vld [tilespmem:s15+$0xFFFFFFE0];
	_ =	sdelay $0x2  }
0x177: {  	v4 =	vnsel vm0, $0x0, v8  }
0x178: {  	[tilespmem:s19+$0xFFFFFFD0] =	vst v4  }
0x179: {  	[tilespmem:s19+$0xFFFFFFC0] =	vst v3  }
0x17a: {  	v4 =	vnsel vm0, $0x0, v10;
	v3 =	vld [tilespmem:s15+$0xFFFFFFF0]  }
0x17b: {  	[tilespmem:s19+$0xFFFFFFF0] =	vst v4;
	_ =	sdelay $0x3  }
0x17c: {  	[tilespmem:s19+$0xFFFFFFE0] =	vst v3  }
0x17d: {  	v4 =	vnsel vm0, $0x0, v11;
	v3 =	vld [tilespmem:s15+$0x0]  }
0x17e: {  	[tilespmem:s19+$0x10] =	vst v4;
	_ =	sdelay $0x3  }
0x17f: {  	[tilespmem:s19+$0x0] =	vst v3  }
0x180: {  	v4 =	vnsel vm0, $0x0, v12;
	v3 =	vld [tilespmem:s15+$0x10]  }
0x181: {  	[tilespmem:s19+$0x30] =	vst v4;
	_ =	sdelay $0x3  }
0x182: {  	[tilespmem:s19+$0x20] =	vst v3  }
0x183: {  	v4 =	vnsel vm0, $0x0, v13;
	v3 =	vld [tilespmem:s15+$0x20]  }
0x184: {  	[tilespmem:s19+$0x50] =	vst v4;
	_ =	sdelay $0x3  }
0x185: {  	[tilespmem:s19+$0x40] =	vst v3  }
0x186: {  	v4 =	vnsel vm0, $0x0, v14;
	v3 =	vld [tilespmem:s15+$0x30]  }
0x187: {  	[tilespmem:s19+$0x70] =	vst v4;
	_ =	sdelay $0x3  }
0x188: {  	[tilespmem:s19+$0x60] =	vst v3  }
0x189: {  	v4 =	vnsel vm0, $0x0, v15;
	v3 =	vld [tilespmem:s15+$0x40]  }
0x18a: {  	[tilespmem:s19+$0x90] =	vst v4;
	_ =	sdelay $0x3  }
0x18b: {  	[tilespmem:s19+$0x80] =	vst v3  }
0x18c: {  	v4 =	vnsel vm0, $0x0, v16;
	v3 =	vld [tilespmem:s15+$0x50]  }
0x18d: {  	[tilespmem:s19+$0xB0] =	vst v4;
	_ =	sdelay $0x3  }
0x18e: {  	[tilespmem:s19+$0xA0] =	vst v3  }
0x18f: {  	v4 =	vnsel vm0, $0x0, v17;
	v3 =	vld [tilespmem:s15+$0x60]  }
0x190: {  	[tilespmem:s19+$0xD0] =	vst v4;
	_ =	sdelay $0x1  }
.Ltmp5:
0x191: {  	(pc) =	sbr.rel @p0 .LBB2_12-.Ltmp5, $4  }
0x192: {  	_ = 	snop  }
0x193: {  	[tilespmem:s19+$0xC0] =	vst v3  }
0x194: {  	v2 =	vnsel vm0, $0x0, v2;
	v3 =	vld [tilespmem:s15+$0x70]  }
0x195: {  	[tilespmem:s19+$0xF0] =	vst v2  }
0x196: {  	_ = 	snop  }
0x197: {  	s21 =	sadd.s32 $0x1, s21  }
0x198: {  	p0 =	sne.s32 s21, s14  }
.Ltmp6:
0x199: {  	s19 =	simm.s32 $0xAB00;
	[tilespmem:s9+$0xE0] =	vst v3;
	(pc) =	sbr.rel @p0 .LBB2_1-.Ltmp6, $4  }
0x19a: {  	[hbm4b:s13+s5] =	stream.linear.scatter [tilespmem:s19], [sflag:$0x8], $0x5000, $0x38;
	[tilespmem:$0x12580] =	vst v63  }
0x19b: {  	_ =	swait.ge [sflag:s16], $0x5000  }
0x19c: {  	[sflag:s16] =	ssyncset.done $0x0  }
0x19d: {  	[sflag:s16] =	ssyncadd.s32 $0xFFFFB000  }
0x19e: {  	_ =	sfence.sel $0x180000  }
0x19f: {  	[bflag:$0x0] =	sbarrier.arrive $0xFFFF  }
0x1a0: {  	_ =	strace $0x90000047  }
0x1a1: {  	s0 =	stileid.u32;
	[bflag:$0x2] =	sbarrier.arrive $0xFFFF  }
0x1a2: {  	p0 =	sne.s32 s0, $0x0;
	s0 =	rddreg [dreg:$0x4]  }
0x1a3: {  	s0 =	sadd.s32 @!p0 $0x100000, s0  }
0x1a4: {  	[sflag:s0] =	ssyncadd.tile.s32 @!p0 $0x1;
	_ =	shalt  }
.Lfunc_end2:
_tile_overlayer_lowered:
.L_overlay_start_2:
0x1a5: {  	(tag) =	ssettag $0x2  }
0x1a6: {  	s0 =	rddreg [dreg:$0x0];
	s2 =	stileid.u32  }
0x1a7: {  	s1 =	rddreg [dreg:$0x1];
	p0 =	sne.s32 s2, $0x0  }
0x1a8: {  	s3 =	rddreg [dreg:$0x2];
	[bflag:$0x3] =	sbarrier.arrive $0xFFFF;
	s2 =	simm.s32 @!p0 $0x1C08  }
0x1a9: {  	[timem:s3], [sflag:s2] =	dma.local @!p0 [hbm:s0], s1  }
0x1aa: {  	s0 =	simm.s32 @!p0 $0x8  }
0x1ab: {  	_ =	swait.ge @!p0 [sflag:s0], s1  }
0x1ac: {  	s1 =	ssub.s32 @!p0 $0x0, s1;
	[sflag:s0] =	ssyncset.done @!p0 $0x0  }
0x1ad: {  	[sflag:s0] =	ssyncadd.s32 @!p0 s1  }
0x1ae: {  	[bflag:$0x3] =	sbarrier.arrive $0xFFFF  }
0x1af: {  	_ =	shalt  }

</sc_bundles>
